<compile_context>
chip_gen: v7x
topology: tpu7x:2x2x1
jax: 0.10.2.dev20260603
libtpu: 0.0.44.dev20260713+nightly
codegen_flags: <defaults>
</compile_context>

<pallas_src>
import functools

import jax
import jax.numpy as jnp
from jax import lax
from jax.experimental import pallas as pl
from jax.experimental.pallas import tpu as pltpu
from jax.experimental.pallas import tpu_sc as plsc

_B = 16384
_S = 50
_D = 32
_NW = 32
_ROWS_W = _B // _NW
_CR = 16
_NC = _ROWS_W // _CR
_CI = _CR * _S
_CRP = _CR + 1
_NBUF = 2


def _sc_gather(idx, table):
    mesh = plsc.VectorSubcoreMesh(core_axis_name="c", subcore_axis_name="s")

    @functools.partial(
        pl.kernel,
        mesh=mesh,
        out_type=jax.ShapeDtypeStruct((_S, _D // 8, _B // 128, 8, 128), jnp.float32),
        scratch_types=[
            [pltpu.VMEM((_CI,), jnp.int32) for _ in range(_NBUF)],
            [pltpu.VMEM((_CI, _D), jnp.float32) for _ in range(_NBUF)],
            [pltpu.VMEM((_S, _D // 8, 8, _CRP), jnp.float32) for _ in range(_NBUF)],
            [pltpu.SemaphoreType.DMA for _ in range(_NBUF)],
            [pltpu.SemaphoreType.DMA for _ in range(_NBUF)],
            [pltpu.SemaphoreType.DMA for _ in range(_NBUF)],
        ],
        compiler_params=pltpu.CompilerParams(
            use_tc_tiling_on_sc=False, needs_layout_passes=False),
    )
    def k(idx_hbm, table_hbm, out_hbm, idx_v, rows_v, trows_v,
          isem, gsem, ssem):
        wid = lax.axis_index("s") * 2 + lax.axis_index("c")
        b_base = wid * _ROWS_W
        lane = lax.iota(jnp.int32, 16)

        def idxs(i):
            return pl.ds((b_base + i * _CR) * _S, _CI)

        def gather(i, b):
            del i
            pltpu.async_copy(table_hbm.at[idx_v[b]], rows_v[b], gsem[b])

        def transpose(i, b):
            del i
            src = rows_v[b]
            dst = trows_v[b]

            def per_s(s, carry):
                sv = jnp.full((16,), 0, jnp.int32) + s
                for bb in range(_CR):
                    bv = jnp.full((16,), bb, jnp.int32)
                    for h in range(2):
                        v = src[bb * _S + s, pl.ds(h * 16, 16)]
                        d = lane + h * 16
                        plsc.store_scatter(
                            dst, [sv, d >> 3, d & 7, bv], v)
                return carry

            lax.fori_loop(0, _S, per_s, jnp.int32(0))

        def store(i, b):
            b0 = b_base + i * _CR
            pltpu.async_copy(
                trows_v[b].at[:, :, :, pl.ds(0, _CR)],
                out_hbm.at[:, :, b0 // 128, :, pl.ds(b0 % 128, _CR)],
                ssem[b])

        def store_wait(i, b):
            b0 = b_base + i * _CR
            pltpu.make_async_copy(
                trows_v[b].at[:, :, :, pl.ds(0, _CR)],
                out_hbm.at[:, :, b0 // 128, :, pl.ds(b0 % 128, _CR)],
                ssem[b]).wait()

        for b in range(_NBUF):
            pltpu.async_copy(idx_hbm.at[idxs(b)], idx_v[b], isem[b])
        pltpu.make_async_copy(idx_hbm.at[idxs(0)], idx_v[0], isem[0]).wait()
        gather(0, 0)

        def pair(t, carry):
            for half in range(2):
                i = 2 * t + half
                b = half
                o = 1 - half
                nxt = i + 1

                def launch_next():
                    pltpu.make_async_copy(idx_hbm.at[idxs(nxt)], idx_v[o],
                                          isem[o]).wait()
                    gather(nxt, o)

                if half == 0:
                    launch_next()
                else:
                    pl.when(t < _NC // 2 - 1)(launch_next)
                pltpu.make_async_copy(table_hbm.at[idx_v[b]], rows_v[b],
                                      gsem[b]).wait()
                pl.when(t >= 1)(lambda: store_wait(i, b))
                transpose(i, b)
                store(i, b)
                def prefetch():
                    pltpu.async_copy(idx_hbm.at[idxs(i + _NBUF)],
                                     idx_v[b], isem[b])

                pl.when(t < _NC // 2 - 1)(prefetch)
            return carry

        lax.fori_loop(0, _NC // 2, pair, jnp.int32(0))
        for i in (_NC - 2, _NC - 1):
            store_wait(i, i % _NBUF)

    return k(idx, table)


def kernel(time_idx, time_embedding):
    idx_flat = time_idx.reshape(-1).astype(jnp.int32)
    out5 = _sc_gather(idx_flat, time_embedding)
    return jnp.transpose(out5, (2, 4, 0, 1, 3)).reshape(_B, _S, _D)

# --- scband reference (transcript-rebuilt; emitter-appended) ---
"""Pipeline reference for scband-time-embeddings-8796093022759 (READ-ONLY COPY).

The authoritative reference and input builder live on the scoring server;
editing this copy changes nothing except your own understanding.
"""

import jax, jax.numpy as jnp
import numpy as np


def setup_inputs(seed: int = 0) -> dict:
    key = jax.random.key(seed)
    k_idx, k_tab = jax.random.split(key)
    time_idx = jax.random.randint(k_idx, (16384, 50), 0, 1000000)
    time_embedding = jax.random.normal(k_tab, (1000000, 32), dtype=jnp.float32) * 0.02
    return {"time_idx": time_idx, "time_embedding": time_embedding}


def reference(time_idx, time_embedding):
    # Faithful translation of TimeEmbeddings.forward: embed = self.time_embedding(time_idx)
    embed = jnp.take(time_embedding, time_idx, axis=0)
    return embed

if __name__ == "__main__":
    import jax
    _d = setup_inputs()
    print(jax.jit(kernel)(*tuple(_d.values())))

</pallas_src>

<mosaic_0001>
#map = affine_map<(d0, d1) -> (0)>
#map1 = affine_map<(d0, d1) -> (0, 0)>
#map2 = affine_map<(d0, d1) -> (0, 0, 0, 0, 0)>
module attributes {stable_mosaic.version = 14 : i64} {
  func.func @k(%arg0: i32, %arg1: i32, %arg2: memref<819200xi32, #tpu.memory_space<hbm>>, %arg3: memref<1000000x32xf32, #tpu.memory_space<hbm>>, %arg4: memref<50x4x128x8x128xf32, #tpu.memory_space<hbm>>, %arg5: memref<800xi32, #tpu.memory_space<vmem>>, %arg6: memref<800xi32, #tpu.memory_space<vmem>>, %arg7: memref<800x32xf32, #tpu.memory_space<vmem>>, %arg8: memref<800x32xf32, #tpu.memory_space<vmem>>, %arg9: memref<50x4x8x17xf32, #tpu.memory_space<vmem>>, %arg10: memref<50x4x8x17xf32, #tpu.memory_space<vmem>>, %arg11: memref<!tpu.dma_semaphore, #tpu.memory_space<semaphore_mem>>, %arg12: memref<!tpu.dma_semaphore, #tpu.memory_space<semaphore_mem>>, %arg13: memref<!tpu.dma_semaphore, #tpu.memory_space<semaphore_mem>>, %arg14: memref<!tpu.dma_semaphore, #tpu.memory_space<semaphore_mem>>, %arg15: memref<!tpu.dma_semaphore, #tpu.memory_space<semaphore_mem>>, %arg16: memref<!tpu.dma_semaphore, #tpu.memory_space<semaphore_mem>>) attributes {dimension_semantics = [#tpu.dimension_semantics<core_parallel>, #tpu.dimension_semantics<subcore_parallel>], iteration_bounds = array<i64: 2, 16>, scalar_prefetch = 0 : i64, scratch_operands = 12 : i64, tpu.core_type = #tpu.core_type<sc_vector_subcore>, window_params = [{transform_indices = #map}, {transform_indices = #map1}, {transform_indices = #map2}]} {
    %mul3A = arith.constant 2 : i32
    %mul3A_0 = arith.muli %arg1, %mul3A : i32
    %add3A = arith.addi %mul3A_0, %arg0 : i32
    %mul3A_1 = arith.constant 512 : i32
    %mul3A_2 = arith.muli %add3A, %mul3A_1 : i32
    %iota3A = tpu.iota {dimensions = array<i32: 0>} : vector<16xi32>
    %add3A_3 = arith.constant 0 : i32
    %add3A_4 = arith.addi %mul3A_2, %add3A_3 : i32
    %mul3A_5 = arith.constant 50 : i32
    %mul3A_6 = arith.muli %add3A_4, %mul3A_5 : i32
    %dma_start3A = tpu.memref_slice %arg2[%mul3A_6] : memref<819200xi32, #tpu.memory_space<hbm>> -> memref<800xi32, #tpu.memory_space<hbm>>
    %dma_start3A_7 = tpu.memref_slice %arg2[%mul3A_6] : memref<819200xi32, #tpu.memory_space<hbm>> -> memref<800xi32, #tpu.memory_space<hbm>>
    tpu.enqueue_dma source(%dma_start3A_7 : memref<800xi32, #tpu.memory_space<hbm>>) target(%arg5 : memref<800xi32, #tpu.memory_space<vmem>>) target_semaphore(%arg11 : memref<!tpu.dma_semaphore, #tpu.memory_space<semaphore_mem>>)
    %add3A_8 = arith.constant 16 : i32
    %add3A_9 = arith.addi %mul3A_2, %add3A_8 : i32
    %mul3A_10 = arith.constant 50 : i32
    %mul3A_11 = arith.muli %add3A_9, %mul3A_10 : i32
    %dma_start3A_12 = tpu.memref_slice %arg2[%mul3A_11] : memref<819200xi32, #tpu.memory_space<hbm>> -> memref<800xi32, #tpu.memory_space<hbm>>
    %dma_start3A_13 = tpu.memref_slice %arg2[%mul3A_11] : memref<819200xi32, #tpu.memory_space<hbm>> -> memref<800xi32, #tpu.memory_space<hbm>>
    tpu.enqueue_dma source(%dma_start3A_13 : memref<800xi32, #tpu.memory_space<hbm>>) target(%arg6 : memref<800xi32, #tpu.memory_space<vmem>>) target_semaphore(%arg12 : memref<!tpu.dma_semaphore, #tpu.memory_space<semaphore_mem>>)
    %add3A_14 = arith.constant 0 : i32
    %add3A_15 = arith.addi %mul3A_2, %add3A_14 : i32
    %mul3A_16 = arith.constant 50 : i32
    %mul3A_17 = arith.muli %add3A_15, %mul3A_16 : i32
    %dma_wait3A = tpu.memref_slice %arg2[%mul3A_17] : memref<819200xi32, #tpu.memory_space<hbm>> -> memref<800xi32, #tpu.memory_space<hbm>>
    %dma_wait3A_18 = tpu.memref_slice %arg2[%mul3A_17] : memref<819200xi32, #tpu.memory_space<hbm>> -> memref<800xi32, #tpu.memory_space<hbm>>
    tpu.wait_dma2 semaphore(%arg11 : memref<!tpu.dma_semaphore, #tpu.memory_space<semaphore_mem>>) src(%dma_wait3A_18 : memref<800xi32, #tpu.memory_space<hbm>>) dst(%arg5 : memref<800xi32, #tpu.memory_space<vmem>>)
    %dma_start3A_19 = arith.constant 0 : i32
    %dma_start3A_20 = arith.constant 0 : i32
    %dma_start3A_21 = tpu.memref_slice %arg3[%dma_start3A_19, %dma_start3A_20] : memref<1000000x32xf32, #tpu.memory_space<hbm>> -> memref<1000000x32xf32, #tpu.memory_space<hbm>>
    tpu.enqueue_indirect_dma source(%dma_start3A_21 : memref<1000000x32xf32, #tpu.memory_space<hbm>>) target(%arg7 : memref<800x32xf32, #tpu.memory_space<vmem>>) offsets(%arg5 : memref<800xi32, #tpu.memory_space<vmem>>) semaphore(%arg13 : memref<!tpu.dma_semaphore, #tpu.memory_space<semaphore_mem>>)
    %scan3A = arith.constant 0 : i32
    %scan3A_22 = arith.constant 0 : i32
    %scan3A_23 = arith.constant 16 : i32
    %scan3A_24 = arith.addi %scan3A_22, %scan3A_23 : i32
    %scan3A_25 = arith.constant 1 : i32
    scf.for %scan3A_141 = %scan3A_22 to %scan3A_24 step %scan3A_25  : i32 {
      %mul3A_142 = arith.constant 2 : i32
      %mul3A_143 = arith.muli %mul3A_142, %scan3A_141 : i32
      %add3A_144 = arith.constant 0 : i32
      %add3A_145 = arith.addi %mul3A_143, %add3A_144 : i32
      %add3A_146 = arith.constant 1 : i32
      %add3A_147 = arith.addi %add3A_145, %add3A_146 : i32
      %mul3A_148 = arith.constant 16 : i32
      %mul3A_149 = arith.muli %add3A_147, %mul3A_148 : i32
      %add3A_150 = arith.addi %mul3A_2, %mul3A_149 : i32
      %mul3A_151 = arith.constant 50 : i32
      %mul3A_152 = arith.muli %add3A_150, %mul3A_151 : i32
      %dma_wait3A_153 = tpu.memref_slice %arg2[%mul3A_152] : memref<819200xi32, #tpu.memory_space<hbm>> -> memref<800xi32, #tpu.memory_space<hbm>>
      %dma_wait3A_154 = tpu.memref_slice %arg2[%mul3A_152] : memref<819200xi32, #tpu.memory_space<hbm>> -> memref<800xi32, #tpu.memory_space<hbm>>
      tpu.wait_dma2 semaphore(%arg12 : memref<!tpu.dma_semaphore, #tpu.memory_space<semaphore_mem>>) src(%dma_wait3A_154 : memref<800xi32, #tpu.memory_space<hbm>>) dst(%arg6 : memref<800xi32, #tpu.memory_space<vmem>>)
      %dma_start3A_155 = arith.constant 0 : i32
      %dma_start3A_156 = arith.constant 0 : i32
      %dma_start3A_157 = tpu.memref_slice %arg3[%dma_start3A_155, %dma_start3A_156] : memref<1000000x32xf32, #tpu.memory_space<hbm>> -> memref<1000000x32xf32, #tpu.memory_space<hbm>>
      tpu.enqueue_indirect_dma source(%dma_start3A_157 : memref<1000000x32xf32, #tpu.memory_space<hbm>>) target(%arg8 : memref<800x32xf32, #tpu.memory_space<vmem>>) offsets(%arg6 : memref<800xi32, #tpu.memory_space<vmem>>) semaphore(%arg14 : memref<!tpu.dma_semaphore, #tpu.memory_space<semaphore_mem>>)
      %dma_wait3A_158 = arith.constant 0 : i32
      %dma_wait3A_159 = arith.constant 0 : i32
      %dma_wait3A_160 = tpu.memref_slice %arg3[%dma_wait3A_158, %dma_wait3A_159] : memref<1000000x32xf32, #tpu.memory_space<hbm>> -> memref<1000000x32xf32, #tpu.memory_space<hbm>>
      tpu.wait_indirect_dma semaphore(%arg13 : memref<!tpu.dma_semaphore, #tpu.memory_space<semaphore_mem>>) src(%dma_wait3A_160 : memref<1000000x32xf32, #tpu.memory_space<hbm>>) dst(%arg7 : memref<800x32xf32, #tpu.memory_space<vmem>>)
      %ge3A = arith.constant 1 : i32
      %ge3A_161 = arith.cmpi sge, %scan3A_141, %ge3A : i32
      %convert_element_type3A = arith.extui %ge3A_161 : i1 to i32
      %cond3A = arith.constant 0 : i32
      %cond3A_162 = arith.cmpi ne, %convert_element_type3A, %cond3A : i32
      scf.if %cond3A_162 {
        %mul3A_330 = arith.constant 16 : i32
        %mul3A_331 = arith.muli %add3A_145, %mul3A_330 : i32
        %add3A_332 = arith.addi %mul3A_2, %mul3A_331 : i32
        %jit3A_333 = arith.constant 128 : i32
        %div3A_334 = arith.divsi %add3A_332, %jit3A_333 : i32
        %sign3A_335 = arith.constant 0 : i32
        %sign3A_336 = arith.cmpi sgt, %add3A_332, %sign3A_335 : i32
        %sign3A_337 = arith.extui %sign3A_336 : i1 to i32
        %sign3A_338 = arith.constant 0 : i32
        %sign3A_339 = arith.cmpi slt, %add3A_332, %sign3A_338 : i32
        %sign3A_340 = arith.extui %sign3A_339 : i1 to i32
        %sign3A_341 = arith.subi %sign3A_337, %sign3A_340 : i32
        %sign3A_342 = arith.constant 0 : i32
        %sign3A_343 = arith.cmpi sgt, %jit3A_333, %sign3A_342 : i32
        %sign3A_344 = arith.extui %sign3A_343 : i1 to i32
        %sign3A_345 = arith.constant 0 : i32
        %sign3A_346 = arith.cmpi slt, %jit3A_333, %sign3A_345 : i32
        %sign3A_347 = arith.extui %sign3A_346 : i1 to i32
        %sign3A_348 = arith.subi %sign3A_344, %sign3A_347 : i32
        %ne3A_349 = arith.cmpi ne, %sign3A_341, %sign3A_348 : i32
        %rem3A_350 = arith.remsi %add3A_332, %jit3A_333 : i32
        %ne3A_351 = arith.constant 0 : i32
        %ne3A_352 = arith.cmpi ne, %rem3A_350, %ne3A_351 : i32
        %and3A_353 = arith.andi %ne3A_349, %ne3A_352 : i1
        %sub3A_354 = arith.constant 1 : i32
        %sub3A_355 = arith.subi %div3A_334, %sub3A_354 : i32
        %select_n3A_356 = arith.select %and3A_353, %sub3A_355, %div3A_334 : i32
        %jit3A_357 = arith.constant 128 : i32
        %eq3A_358 = arith.constant 0 : i32
        %eq3A_359 = arith.cmpi eq, %jit3A_357, %eq3A_358 : i32
        %jit3A_360 = arith.constant 1 : i32
        %select_n3A_361 = arith.select %eq3A_359, %jit3A_360, %jit3A_357 : i32
        %rem3A_362 = arith.remsi %add3A_332, %select_n3A_361 : i32
        %ne3A_363 = arith.constant 0 : i32
        %ne3A_364 = arith.cmpi ne, %rem3A_362, %ne3A_363 : i32
        %lt3A_365 = arith.constant 0 : i32
        %lt3A_366 = arith.cmpi slt, %rem3A_362, %lt3A_365 : i32
        %lt3A_367 = arith.constant 0 : i32
        %lt3A_368 = arith.cmpi slt, %select_n3A_361, %lt3A_367 : i32
        %ne3A_369 = arith.xori %lt3A_366, %lt3A_368 : i1
        %and3A_370 = arith.andi %ne3A_369, %ne3A_364 : i1
        %add3A_371 = arith.addi %rem3A_362, %select_n3A_361 : i32
        %select_n3A_372 = arith.select %and3A_370, %add3A_371, %rem3A_362 : i32
        %dma_wait3A_373 = arith.constant 0 : i32
        %dma_wait3A_374 = arith.constant 0 : i32
        %dma_wait3A_375 = arith.constant 0 : i32
        %dma_wait3A_376 = arith.constant 0 : i32
        %dma_wait3A_377 = tpu.memref_slice %arg9[%dma_wait3A_373, %dma_wait3A_374, %dma_wait3A_375, %dma_wait3A_376] : memref<50x4x8x17xf32, #tpu.memory_space<vmem>> -> memref<50x4x8x16xf32, #tpu.memory_space<vmem>>
        %dma_wait3A_378 = arith.constant 0 : i32
        %dma_wait3A_379 = arith.constant 0 : i32
        %dma_wait3A_380 = arith.constant 0 : i32
        %dma_wait3A_381 = tpu.memref_slice %arg4[%dma_wait3A_378, %dma_wait3A_379, %select_n3A_356, %dma_wait3A_380, %select_n3A_372] : memref<50x4x128x8x128xf32, #tpu.memory_space<hbm>> -> memref<50x4x1x8x16xf32, #tpu.memory_space<hbm>>
        %dma_wait3A_382 = tpu.memref_squeeze %dma_wait3A_381 : memref<50x4x1x8x16xf32, #tpu.memory_space<hbm>> -> memref<50x4x8x16xf32, #tpu.memory_space<hbm>>
        %dma_wait3A_383 = arith.constant 0 : i32
        %dma_wait3A_384 = arith.constant 0 : i32
        %dma_wait3A_385 = arith.constant 0 : i32
        %dma_wait3A_386 = tpu.memref_slice %arg4[%dma_wait3A_383, %dma_wait3A_384, %select_n3A_356, %dma_wait3A_385, %select_n3A_372] : memref<50x4x128x8x128xf32, #tpu.memory_space<hbm>> -> memref<50x4x1x8x16xf32, #tpu.memory_space<hbm>>
        %dma_wait3A_387 = tpu.memref_squeeze %dma_wait3A_386 : memref<50x4x1x8x16xf32, #tpu.memory_space<hbm>> -> memref<50x4x8x16xf32, #tpu.memory_space<hbm>>
        %dma_wait3A_388 = arith.constant 0 : i32
        %dma_wait3A_389 = arith.constant 0 : i32
        %dma_wait3A_390 = arith.constant 0 : i32
        %dma_wait3A_391 = arith.constant 0 : i32
        %dma_wait3A_392 = tpu.memref_slice %arg9[%dma_wait3A_388, %dma_wait3A_389, %dma_wait3A_390, %dma_wait3A_391] : memref<50x4x8x17xf32, #tpu.memory_space<vmem>> -> memref<50x4x8x16xf32, #tpu.memory_space<vmem>>
        tpu.wait_dma2 semaphore(%arg15 : memref<!tpu.dma_semaphore, #tpu.memory_space<semaphore_mem>>) src(%dma_wait3A_392 : memref<50x4x8x16xf32, #tpu.memory_space<vmem>>) dst(%dma_wait3A_387 : memref<50x4x8x16xf32, #tpu.memory_space<hbm>>)
      } else {
      }
      %scan3A_163 = arith.constant 0 : i32
      %scan3A_164 = arith.constant 0 : i32
      %scan3A_165 = arith.constant 50 : i32
      %scan3A_166 = arith.addi %scan3A_164, %scan3A_165 : i32
      %scan3A_167 = arith.constant 1 : i32
      scf.for %scan3A_330 = %scan3A_164 to %scan3A_166 step %scan3A_167  : i32 {
        %broadcast_in_dim3A = arith.constant 0 : i32
        %broadcast_in_dim3A_331 = vector.broadcast %broadcast_in_dim3A : i32 to vector<16xi32>
        %add3A_332 = vector.broadcast %scan3A_330 : i32 to vector<16xi32>
        %add3A_333 = arith.addi %broadcast_in_dim3A_331, %add3A_332 : vector<16xi32>
        %broadcast_in_dim3A_334 = arith.constant 0 : i32
        %broadcast_in_dim3A_335 = vector.broadcast %broadcast_in_dim3A_334 : i32 to vector<16xi32>
        %add3A_336 = arith.constant 0 : i32
        %add3A_337 = arith.addi %add3A_336, %scan3A_330 : i32
        %get3A = arith.index_cast %add3A_337 : i32 to index
        %get3A_338 = arith.constant 0 : index
        %get3A_339 = tpu.vector_load %arg7[%get3A, %get3A_338] {strides = array<i32>} : memref<800x32xf32, #tpu.memory_space<vmem>>, vector<16xf32>,
        %add3A_340 = arith.constant 0 : i32
        %add3A_341 = vector.broadcast %add3A_340 : i32 to vector<16xi32>
        %add3A_342 = arith.addi %iota3A, %add3A_341 : vector<16xi32>
        %shift_right_arithmetic3A = arith.constant 3 : i32
        %shift_right_arithmetic3A_343 = vector.broadcast %shift_right_arithmetic3A : i32 to vector<16xi32>
        %shift_right_arithmetic3A_344 = arith.shrsi %add3A_342, %shift_right_arithmetic3A_343 : vector<16xi32>
        %and3A_345 = arith.constant 7 : i32
        %and3A_346 = vector.broadcast %and3A_345 : i32 to vector<16xi32>
        %and3A_347 = arith.andi %add3A_342, %and3A_346 : vector<16xi32>
        tpu.vector_store_idx %arg9[%add3A_333, %shift_right_arithmetic3A_344, %and3A_347, %broadcast_in_dim3A_335], %get3A_339 : memref<50x4x8x17xf32, #tpu.memory_space<vmem>>[vector<16xi32>, vector<16xi32>, vector<16xi32>, vector<16xi32>], vector<16xf32>,
        %add3A_348 = arith.constant 0 : i32
        %add3A_349 = arith.addi %add3A_348, %scan3A_330 : i32
        %get3A_350 = arith.index_cast %add3A_349 : i32 to index
        %get3A_351 = arith.constant 16 : index
        %get3A_352 = tpu.vector_load %arg7[%get3A_350, %get3A_351] {strides = array<i32>} : memref<800x32xf32, #tpu.memory_space<vmem>>, vector<16xf32>,
        %add3A_353 = arith.constant 16 : i32
        %add3A_354 = vector.broadcast %add3A_353 : i32 to vector<16xi32>
        %add3A_355 = arith.addi %iota3A, %add3A_354 : vector<16xi32>
        %shift_right_arithmetic3A_356 = arith.constant 3 : i32
        %shift_right_arithmetic3A_357 = vector.broadcast %shift_right_arithmetic3A_356 : i32 to vector<16xi32>
        %shift_right_arithmetic3A_358 = arith.shrsi %add3A_355, %shift_right_arithmetic3A_357 : vector<16xi32>
        %and3A_359 = arith.constant 7 : i32
        %and3A_360 = vector.broadcast %and3A_359 : i32 to vector<16xi32>
        %and3A_361 = arith.andi %add3A_355, %and3A_360 : vector<16xi32>
        tpu.vector_store_idx %arg9[%add3A_333, %shift_right_arithmetic3A_358, %and3A_361, %broadcast_in_dim3A_335], %get3A_352 : memref<50x4x8x17xf32, #tpu.memory_space<vmem>>[vector<16xi32>, vector<16xi32>, vector<16xi32>, vector<16xi32>], vector<16xf32>,
        %broadcast_in_dim3A_362 = arith.constant 1 : i32
        %broadcast_in_dim3A_363 = vector.broadcast %broadcast_in_dim3A_362 : i32 to vector<16xi32>
        %add3A_364 = arith.constant 50 : i32
        %add3A_365 = arith.addi %add3A_364, %scan3A_330 : i32
        %get3A_366 = arith.index_cast %add3A_365 : i32 to index
        %get3A_367 = arith.constant 0 : index
        %get3A_368 = tpu.vector_load %arg7[%get3A_366, %get3A_367] {strides = array<i32>} : memref<800x32xf32, #tpu.memory_space<vmem>>, vector<16xf32>,
        %add3A_369 = arith.constant 0 : i32
        %add3A_370 = vector.broadcast %add3A_369 : i32 to vector<16xi32>
        %add3A_371 = arith.addi %iota3A, %add3A_370 : vector<16xi32>
        %shift_right_arithmetic3A_372 = arith.constant 3 : i32
        %shift_right_arithmetic3A_373 = vector.broadcast %shift_right_arithmetic3A_372 : i32 to vector<16xi32>
        %shift_right_arithmetic3A_374 = arith.shrsi %add3A_371, %shift_right_arithmetic3A_373 : vector<16xi32>
        %and3A_375 = arith.constant 7 : i32
        %and3A_376 = vector.broadcast %and3A_375 : i32 to vector<16xi32>
        %and3A_377 = arith.andi %add3A_371, %and3A_376 : vector<16xi32>
        tpu.vector_store_idx %arg9[%add3A_333, %shift_right_arithmetic3A_374, %and3A_377, %broadcast_in_dim3A_363], %get3A_368 : memref<50x4x8x17xf32, #tpu.memory_space<vmem>>[vector<16xi32>, vector<16xi32>, vector<16xi32>, vector<16xi32>], vector<16xf32>,
        %add3A_378 = arith.constant 50 : i32
        %add3A_379 = arith.addi %add3A_378, %scan3A_330 : i32
        %get3A_380 = arith.index_cast %add3A_379 : i32 to index
        %get3A_381 = arith.constant 16 : index
        %get3A_382 = tpu.vector_load %arg7[%get3A_380, %get3A_381] {strides = array<i32>} : memref<800x32xf32, #tpu.memory_space<vmem>>, vector<16xf32>,
        %add3A_383 = arith.constant 16 : i32
        %add3A_384 = vector.broadcast %add3A_383 : i32 to vector<16xi32>
        %add3A_385 = arith.addi %iota3A, %add3A_384 : vector<16xi32>
        %shift_right_arithmetic3A_386 = arith.constant 3 : i32
        %shift_right_arithmetic3A_387 = vector.broadcast %shift_right_arithmetic3A_386 : i32 to vector<16xi32>
        %shift_right_arithmetic3A_388 = arith.shrsi %add3A_385, %shift_right_arithmetic3A_387 : vector<16xi32>
        %and3A_389 = arith.constant 7 : i32
        %and3A_390 = vector.broadcast %and3A_389 : i32 to vector<16xi32>
        %and3A_391 = arith.andi %add3A_385, %and3A_390 : vector<16xi32>
        tpu.vector_store_idx %arg9[%add3A_333, %shift_right_arithmetic3A_388, %and3A_391, %broadcast_in_dim3A_363], %get3A_382 : memref<50x4x8x17xf32, #tpu.memory_space<vmem>>[vector<16xi32>, vector<16xi32>, vector<16xi32>, vector<16xi32>], vector<16xf32>,
        %broadcast_in_dim3A_392 = arith.constant 2 : i32
        %broadcast_in_dim3A_393 = vector.broadcast %broadcast_in_dim3A_392 : i32 to vector<16xi32>
        %add3A_394 = arith.constant 100 : i32
        %add3A_395 = arith.addi %add3A_394, %scan3A_330 : i32
        %get3A_396 = arith.index_cast %add3A_395 : i32 to index
        %get3A_397 = arith.constant 0 : index
        %get3A_398 = tpu.vector_load %arg7[%get3A_396, %get3A_397] {strides = array<i32>} : memref<800x32xf32, #tpu.memory_space<vmem>>, vector<16xf32>,
        %add3A_399 = arith.constant 0 : i32
        %add3A_400 = vector.broadcast %add3A_399 : i32 to vector<16xi32>
        %add3A_401 = arith.addi %iota3A, %add3A_400 : vector<16xi32>
        %shift_right_arithmetic3A_402 = arith.constant 3 : i32
        %shift_right_arithmetic3A_403 = vector.broadcast %shift_right_arithmetic3A_402 : i32 to vector<16xi32>
        %shift_right_arithmetic3A_404 = arith.shrsi %add3A_401, %shift_right_arithmetic3A_403 : vector<16xi32>
        %and3A_405 = arith.constant 7 : i32
        %and3A_406 = vector.broadcast %and3A_405 : i32 to vector<16xi32>
        %and3A_407 = arith.andi %add3A_401, %and3A_406 : vector<16xi32>
        tpu.vector_store_idx %arg9[%add3A_333, %shift_right_arithmetic3A_404, %and3A_407, %broadcast_in_dim3A_393], %get3A_398 : memref<50x4x8x17xf32, #tpu.memory_space<vmem>>[vector<16xi32>, vector<16xi32>, vector<16xi32>, vector<16xi32>], vector<16xf32>,
        %add3A_408 = arith.constant 100 : i32
        %add3A_409 = arith.addi %add3A_408, %scan3A_330 : i32
        %get3A_410 = arith.index_cast %add3A_409 : i32 to index
        %get3A_411 = arith.constant 16 : index
        %get3A_412 = tpu.vector_load %arg7[%get3A_410, %get3A_411] {strides = array<i32>} : memref<800x32xf32, #tpu.memory_space<vmem>>, vector<16xf32>,
        %add3A_413 = arith.constant 16 : i32
        %add3A_414 = vector.broadcast %add3A_413 : i32 to vector<16xi32>
        %add3A_415 = arith.addi %iota3A, %add3A_414 : vector<16xi32>
        %shift_right_arithmetic3A_416 = arith.constant 3 : i32
        %shift_right_arithmetic3A_417 = vector.broadcast %shift_right_arithmetic3A_416 : i32 to vector<16xi32>
        %shift_right_arithmetic3A_418 = arith.shrsi %add3A_415, %shift_right_arithmetic3A_417 : vector<16xi32>
        %and3A_419 = arith.constant 7 : i32
        %and3A_420 = vector.broadcast %and3A_419 : i32 to vector<16xi32>
        %and3A_421 = arith.andi %add3A_415, %and3A_420 : vector<16xi32>
        tpu.vector_store_idx %arg9[%add3A_333, %shift_right_arithmetic3A_418, %and3A_421, %broadcast_in_dim3A_393], %get3A_412 : memref<50x4x8x17xf32, #tpu.memory_space<vmem>>[vector<16xi32>, vector<16xi32>, vector<16xi32>, vector<16xi32>], vector<16xf32>,
        %broadcast_in_dim3A_422 = arith.constant 3 : i32
        %broadcast_in_dim3A_423 = vector.broadcast %broadcast_in_dim3A_422 : i32 to vector<16xi32>
        %add3A_424 = arith.constant 150 : i32
        %add3A_425 = arith.addi %add3A_424, %scan3A_330 : i32
        %get3A_426 = arith.index_cast %add3A_425 : i32 to index
        %get3A_427 = arith.constant 0 : index
        %get3A_428 = tpu.vector_load %arg7[%get3A_426, %get3A_427] {strides = array<i32>} : memref<800x32xf32, #tpu.memory_space<vmem>>, vector<16xf32>,
        %add3A_429 = arith.constant 0 : i32
        %add3A_430 = vector.broadcast %add3A_429 : i32 to vector<16xi32>
        %add3A_431 = arith.addi %iota3A, %add3A_430 : vector<16xi32>
        %shift_right_arithmetic3A_432 = arith.constant 3 : i32
        %shift_right_arithmetic3A_433 = vector.broadcast %shift_right_arithmetic3A_432 : i32 to vector<16xi32>
        %shift_right_arithmetic3A_434 = arith.shrsi %add3A_431, %shift_right_arithmetic3A_433 : vector<16xi32>
        %and3A_435 = arith.constant 7 : i32
        %and3A_436 = vector.broadcast %and3A_435 : i32 to vector<16xi32>
        %and3A_437 = arith.andi %add3A_431, %and3A_436 : vector<16xi32>
        tpu.vector_store_idx %arg9[%add3A_333, %shift_right_arithmetic3A_434, %and3A_437, %broadcast_in_dim3A_423], %get3A_428 : memref<50x4x8x17xf32, #tpu.memory_space<vmem>>[vector<16xi32>, vector<16xi32>, vector<16xi32>, vector<16xi32>], vector<16xf32>,
        %add3A_438 = arith.constant 150 : i32
        %add3A_439 = arith.addi %add3A_438, %scan3A_330 : i32
        %get3A_440 = arith.index_cast %add3A_439 : i32 to index
        %get3A_441 = arith.constant 16 : index
        %get3A_442 = tpu.vector_load %arg7[%get3A_440, %get3A_441] {strides = array<i32>} : memref<800x32xf32, #tpu.memory_space<vmem>>, vector<16xf32>,
        %add3A_443 = arith.constant 16 : i32
        %add3A_444 = vector.broadcast %add3A_443 : i32 to vector<16xi32>
        %add3A_445 = arith.addi %iota3A, %add3A_444 : vector<16xi32>
        %shift_right_arithmetic3A_446 = arith.constant 3 : i32
        %shift_right_arithmetic3A_447 = vector.broadcast %shift_right_arithmetic3A_446 : i32 to vector<16xi32>
        %shift_right_arithmetic3A_448 = arith.shrsi %add3A_445, %shift_right_arithmetic3A_447 : vector<16xi32>
        %and3A_449 = arith.constant 7 : i32
        %and3A_450 = vector.broadcast %and3A_449 : i32 to vector<16xi32>
        %and3A_451 = arith.andi %add3A_445, %and3A_450 : vector<16xi32>
        tpu.vector_store_idx %arg9[%add3A_333, %shift_right_arithmetic3A_448, %and3A_451, %broadcast_in_dim3A_423], %get3A_442 : memref<50x4x8x17xf32, #tpu.memory_space<vmem>>[vector<16xi32>, vector<16xi32>, vector<16xi32>, vector<16xi32>], vector<16xf32>,
        %broadcast_in_dim3A_452 = arith.constant 4 : i32
        %broadcast_in_dim3A_453 = vector.broadcast %broadcast_in_dim3A_452 : i32 to vector<16xi32>
        %add3A_454 = arith.constant 200 : i32
        %add3A_455 = arith.addi %add3A_454, %scan3A_330 : i32
        %get3A_456 = arith.index_cast %add3A_455 : i32 to index
        %get3A_457 = arith.constant 0 : index
        %get3A_458 = tpu.vector_load %arg7[%get3A_456, %get3A_457] {strides = array<i32>} : memref<800x32xf32, #tpu.memory_space<vmem>>, vector<16xf32>,
        %add3A_459 = arith.constant 0 : i32
        %add3A_460 = vector.broadcast %add3A_459 : i32 to vector<16xi32>
        %add3A_461 = arith.addi %iota3A, %add3A_460 : vector<16xi32>
        %shift_right_arithmetic3A_462 = arith.constant 3 : i32
        %shift_right_arithmetic3A_463 = vector.broadcast %shift_right_arithmetic3A_462 : i32 to vector<16xi32>
        %shift_right_arithmetic3A_464 = arith.shrsi %add3A_461, %shift_right_arithmetic3A_463 : vector<16xi32>
        %and3A_465 = arith.constant 7 : i32
        %and3A_466 = vector.broadcast %and3A_465 : i32 to vector<16xi32>
        %and3A_467 = arith.andi %add3A_461, %and3A_466 : vector<16xi32>
        tpu.vector_store_idx %arg9[%add3A_333, %shift_right_arithmetic3A_464, %and3A_467, %broadcast_in_dim3A_453], %get3A_458 : memref<50x4x8x17xf32, #tpu.memory_space<vmem>>[vector<16xi32>, vector<16xi32>, vector<16xi32>, vector<16xi32>], vector<16xf32>,
        %add3A_468 = arith.constant 200 : i32
        %add3A_469 = arith.addi %add3A_468, %scan3A_330 : i32
        %get3A_470 = arith.index_cast %add3A_469 : i32 to index
        %get3A_471 = arith.constant 16 : index
        %get3A_472 = tpu.vector_load %arg7[%get3A_470, %get3A_471] {strides = array<i32>} : memref<800x32xf32, #tpu.memory_space<vmem>>, vector<16xf32>,
        %add3A_473 = arith.constant 16 : i32
        %add3A_474 = vector.broadcast %add3A_473 : i32 to vector<16xi32>
        %add3A_475 = arith.addi %iota3A, %add3A_474 : vector<16xi32>
        %shift_right_arithmetic3A_476 = arith.constant 3 : i32
        %shift_right_arithmetic3A_477 = vector.broadcast %shift_right_arithmetic3A_476 : i32 to vector<16xi32>
        %shift_right_arithmetic3A_478 = arith.shrsi %add3A_475, %shift_right_arithmetic3A_477 : vector<16xi32>
        %and3A_479 = arith.constant 7 : i32
        %and3A_480 = vector.broadcast %and3A_479 : i32 to vector<16xi32>
        %and3A_481 = arith.andi %add3A_475, %and3A_480 : vector<16xi32>
        tpu.vector_store_idx %arg9[%add3A_333, %shift_right_arithmetic3A_478, %and3A_481, %broadcast_in_dim3A_453], %get3A_472 : memref<50x4x8x17xf32, #tpu.memory_space<vmem>>[vector<16xi32>, vector<16xi32>, vector<16xi32>, vector<16xi32>], vector<16xf32>,
        %broadcast_in_dim3A_482 = arith.constant 5 : i32
        %broadcast_in_dim3A_483 = vector.broadcast %broadcast_in_dim3A_482 : i32 to vector<16xi32>
        %add3A_484 = arith.constant 250 : i32
        %add3A_485 = arith.addi %add3A_484, %scan3A_330 : i32
        %get3A_486 = arith.index_cast %add3A_485 : i32 to index
        %get3A_487 = arith.constant 0 : index
        %get3A_488 = tpu.vector_load %arg7[%get3A_486, %get3A_487] {strides = array<i32>} : memref<800x32xf32, #tpu.memory_space<vmem>>, vector<16xf32>,
        %add3A_489 = arith.constant 0 : i32
        %add3A_490 = vector.broadcast %add3A_489 : i32 to vector<16xi32>
        %add3A_491 = arith.addi %iota3A, %add3A_490 : vector<16xi32>
        %shift_right_arithmetic3A_492 = arith.constant 3 : i32
        %shift_right_arithmetic3A_493 = vector.broadcast %shift_right_arithmetic3A_492 : i32 to vector<16xi32>
        %shift_right_arithmetic3A_494 = arith.shrsi %add3A_491, %shift_right_arithmetic3A_493 : vector<16xi32>
        %and3A_495 = arith.constant 7 : i32
        %and3A_496 = vector.broadcast %and3A_495 : i32 to vector<16xi32>
        %and3A_497 = arith.andi %add3A_491, %and3A_496 : vector<16xi32>
        tpu.vector_store_idx %arg9[%add3A_333, %shift_right_arithmetic3A_494, %and3A_497, %broadcast_in_dim3A_483], %get3A_488 : memref<50x4x8x17xf32, #tpu.memory_space<vmem>>[vector<16xi32>, vector<16xi32>, vector<16xi32>, vector<16xi32>], vector<16xf32>,
        %add3A_498 = arith.constant 250 : i32
        %add3A_499 = arith.addi %add3A_498, %scan3A_330 : i32
        %get3A_500 = arith.index_cast %add3A_499 : i32 to index
        %get3A_501 = arith.constant 16 : index
        %get3A_502 = tpu.vector_load %arg7[%get3A_500, %get3A_501] {strides = array<i32>} : memref<800x32xf32, #tpu.memory_space<vmem>>, vector<16xf32>,
        %add3A_503 = arith.constant 16 : i32
        %add3A_504 = vector.broadcast %add3A_503 : i32 to vector<16xi32>
        %add3A_505 = arith.addi %iota3A, %add3A_504 : vector<16xi32>
        %shift_right_arithmetic3A_506 = arith.constant 3 : i32
        %shift_right_arithmetic3A_507 = vector.broadcast %shift_right_arithmetic3A_506 : i32 to vector<16xi32>
        %shift_right_arithmetic3A_508 = arith.shrsi %add3A_505, %shift_right_arithmetic3A_507 : vector<16xi32>
        %and3A_509 = arith.constant 7 : i32
        %and3A_510 = vector.broadcast %and3A_509 : i32 to vector<16xi32>
        %and3A_511 = arith.andi %add3A_505, %and3A_510 : vector<16xi32>
        tpu.vector_store_idx %arg9[%add3A_333, %shift_right_arithmetic3A_508, %and3A_511, %broadcast_in_dim3A_483], %get3A_502 : memref<50x4x8x17xf32, #tpu.memory_space<vmem>>[vector<16xi32>, vector<16xi32>, vector<16xi32>, vector<16xi32>], vector<16xf32>,
        %broadcast_in_dim3A_512 = arith.constant 6 : i32
        %broadcast_in_dim3A_513 = vector.broadcast %broadcast_in_dim3A_512 : i32 to vector<16xi32>
        %add3A_514 = arith.constant 300 : i32
        %add3A_515 = arith.addi %add3A_514, %scan3A_330 : i32
        %get3A_516 = arith.index_cast %add3A_515 : i32 to index
        %get3A_517 = arith.constant 0 : index
        %get3A_518 = tpu.vector_load %arg7[%get3A_516, %get3A_517] {strides = array<i32>} : memref<800x32xf32, #tpu.memory_space<vmem>>, vector<16xf32>,
        %add3A_519 = arith.constant 0 : i32
        %add3A_520 = vector.broadcast %add3A_519 : i32 to vector<16xi32>
        %add3A_521 = arith.addi %iota3A, %add3A_520 : vector<16xi32>
        %shift_right_arithmetic3A_522 = arith.constant 3 : i32
        %shift_right_arithmetic3A_523 = vector.broadcast %shift_right_arithmetic3A_522 : i32 to vector<16xi32>
        %shift_right_arithmetic3A_524 = arith.shrsi %add3A_521, %shift_right_arithmetic3A_523 : vector<16xi32>
        %and3A_525 = arith.constant 7 : i32
        %and3A_526 = vector.broadcast %and3A_525 : i32 to vector<16xi32>
        %and3A_527 = arith.andi %add3A_521, %and3A_526 : vector<16xi32>
        tpu.vector_store_idx %arg9[%add3A_333, %shift_right_arithmetic3A_524, %and3A_527, %broadcast_in_dim3A_513], %get3A_518 : memref<50x4x8x17xf32, #tpu.memory_space<vmem>>[vector<16xi32>, vector<16xi32>, vector<16xi32>, vector<16xi32>], vector<16xf32>,
        %add3A_528 = arith.constant 300 : i32
        %add3A_529 = arith.addi %add3A_528, %scan3A_330 : i32
        %get3A_530 = arith.index_cast %add3A_529 : i32 to index
        %get3A_531 = arith.constant 16 : index
        %get3A_532 = tpu.vector_load %arg7[%get3A_530, %get3A_531] {strides = array<i32>} : memref<800x32xf32, #tpu.memory_space<vmem>>, vector<16xf32>,
        %add3A_533 = arith.constant 16 : i32
        %add3A_534 = vector.broadcast %add3A_533 : i32 to vector<16xi32>
        %add3A_535 = arith.addi %iota3A, %add3A_534 : vector<16xi32>
        %shift_right_arithmetic3A_536 = arith.constant 3 : i32
        %shift_right_arithmetic3A_537 = vector.broadcast %shift_right_arithmetic3A_536 : i32 to vector<16xi32>
        %shift_right_arithmetic3A_538 = arith.shrsi %add3A_535, %shift_right_arithmetic3A_537 : vector<16xi32>
        %and3A_539 = arith.constant 7 : i32
        %and3A_540 = vector.broadcast %and3A_539 : i32 to vector<16xi32>
        %and3A_541 = arith.andi %add3A_535, %and3A_540 : vector<16xi32>
        tpu.vector_store_idx %arg9[%add3A_333, %shift_right_arithmetic3A_538, %and3A_541, %broadcast_in_dim3A_513], %get3A_532 : memref<50x4x8x17xf32, #tpu.memory_space<vmem>>[vector<16xi32>, vector<16xi32>, vector<16xi32>, vector<16xi32>], vector<16xf32>,
        %broadcast_in_dim3A_542 = arith.constant 7 : i32
        %broadcast_in_dim3A_543 = vector.broadcast %broadcast_in_dim3A_542 : i32 to vector<16xi32>
        %add3A_544 = arith.constant 350 : i32
        %add3A_545 = arith.addi %add3A_544, %scan3A_330 : i32
        %get3A_546 = arith.index_cast %add3A_545 : i32 to index
        %get3A_547 = arith.constant 0 : index
        %get3A_548 = tpu.vector_load %arg7[%get3A_546, %get3A_547] {strides = array<i32>} : memref<800x32xf32, #tpu.memory_space<vmem>>, vector<16xf32>,
        %add3A_549 = arith.constant 0 : i32
        %add3A_550 = vector.broadcast %add3A_549 : i32 to vector<16xi32>
        %add3A_551 = arith.addi %iota3A, %add3A_550 : vector<16xi32>
        %shift_right_arithmetic3A_552 = arith.constant 3 : i32
        %shift_right_arithmetic3A_553 = vector.broadcast %shift_right_arithmetic3A_552 : i32 to vector<16xi32>
        %shift_right_arithmetic3A_554 = arith.shrsi %add3A_551, %shift_right_arithmetic3A_553 : vector<16xi32>
        %and3A_555 = arith.constant 7 : i32
        %and3A_556 = vector.broadcast %and3A_555 : i32 to vector<16xi32>
        %and3A_557 = arith.andi %add3A_551, %and3A_556 : vector<16xi32>
        tpu.vector_store_idx %arg9[%add3A_333, %shift_right_arithmetic3A_554, %and3A_557, %broadcast_in_dim3A_543], %get3A_548 : memref<50x4x8x17xf32, #tpu.memory_space<vmem>>[vector<16xi32>, vector<16xi32>, vector<16xi32>, vector<16xi32>], vector<16xf32>,
        %add3A_558 = arith.constant 350 : i32
        %add3A_559 = arith.addi %add3A_558, %scan3A_330 : i32
        %get3A_560 = arith.index_cast %add3A_559 : i32 to index
        %get3A_561 = arith.constant 16 : index
        %get3A_562 = tpu.vector_load %arg7[%get3A_560, %get3A_561] {strides = array<i32>} : memref<800x32xf32, #tpu.memory_space<vmem>>, vector<16xf32>,
        %add3A_563 = arith.constant 16 : i32
        %add3A_564 = vector.broadcast %add3A_563 : i32 to vector<16xi32>
        %add3A_565 = arith.addi %iota3A, %add3A_564 : vector<16xi32>
        %shift_right_arithmetic3A_566 = arith.constant 3 : i32
        %shift_right_arithmetic3A_567 = vector.broadcast %shift_right_arithmetic3A_566 : i32 to vector<16xi32>
        %shift_right_arithmetic3A_568 = arith.shrsi %add3A_565, %shift_right_arithmetic3A_567 : vector<16xi32>
        %and3A_569 = arith.constant 7 : i32
        %and3A_570 = vector.broadcast %and3A_569 : i32 to vector<16xi32>
        %and3A_571 = arith.andi %add3A_565, %and3A_570 : vector<16xi32>
        tpu.vector_store_idx %arg9[%add3A_333, %shift_right_arithmetic3A_568, %and3A_571, %broadcast_in_dim3A_543], %get3A_562 : memref<50x4x8x17xf32, #tpu.memory_space<vmem>>[vector<16xi32>, vector<16xi32>, vector<16xi32>, vector<16xi32>], vector<16xf32>,
        %broadcast_in_dim3A_572 = arith.constant 8 : i32
        %broadcast_in_dim3A_573 = vector.broadcast %broadcast_in_dim3A_572 : i32 to vector<16xi32>
        %add3A_574 = arith.constant 400 : i32
        %add3A_575 = arith.addi %add3A_574, %scan3A_330 : i32
        %get3A_576 = arith.index_cast %add3A_575 : i32 to index
        %get3A_577 = arith.constant 0 : index
        %get3A_578 = tpu.vector_load %arg7[%get3A_576, %get3A_577] {strides = array<i32>} : memref<800x32xf32, #tpu.memory_space<vmem>>, vector<16xf32>,
        %add3A_579 = arith.constant 0 : i32
        %add3A_580 = vector.broadcast %add3A_579 : i32 to vector<16xi32>
        %add3A_581 = arith.addi %iota3A, %add3A_580 : vector<16xi32>
        %shift_right_arithmetic3A_582 = arith.constant 3 : i32
        %shift_right_arithmetic3A_583 = vector.broadcast %shift_right_arithmetic3A_582 : i32 to vector<16xi32>
        %shift_right_arithmetic3A_584 = arith.shrsi %add3A_581, %shift_right_arithmetic3A_583 : vector<16xi32>
        %and3A_585 = arith.constant 7 : i32
        %and3A_586 = vector.broadcast %and3A_585 : i32 to vector<16xi32>
        %and3A_587 = arith.andi %add3A_581, %and3A_586 : vector<16xi32>
        tpu.vector_store_idx %arg9[%add3A_333, %shift_right_arithmetic3A_584, %and3A_587, %broadcast_in_dim3A_573], %get3A_578 : memref<50x4x8x17xf32, #tpu.memory_space<vmem>>[vector<16xi32>, vector<16xi32>, vector<16xi32>, vector<16xi32>], vector<16xf32>,
        %add3A_588 = arith.constant 400 : i32
        %add3A_589 = arith.addi %add3A_588, %scan3A_330 : i32
        %get3A_590 = arith.index_cast %add3A_589 : i32 to index
        %get3A_591 = arith.constant 16 : index
        %get3A_592 = tpu.vector_load %arg7[%get3A_590, %get3A_591] {strides = array<i32>} : memref<800x32xf32, #tpu.memory_space<vmem>>, vector<16xf32>,
        %add3A_593 = arith.constant 16 : i32
        %add3A_594 = vector.broadcast %add3A_593 : i32 to vector<16xi32>
        %add3A_595 = arith.addi %iota3A, %add3A_594 : vector<16xi32>
        %shift_right_arithmetic3A_596 = arith.constant 3 : i32
        %shift_right_arithmetic3A_597 = vector.broadcast %shift_right_arithmetic3A_596 : i32 to vector<16xi32>
        %shift_right_arithmetic3A_598 = arith.shrsi %add3A_595, %shift_right_arithmetic3A_597 : vector<16xi32>
        %and3A_599 = arith.constant 7 : i32
        %and3A_600 = vector.broadcast %and3A_599 : i32 to vector<16xi32>
        %and3A_601 = arith.andi %add3A_595, %and3A_600 : vector<16xi32>
        tpu.vector_store_idx %arg9[%add3A_333, %shift_right_arithmetic3A_598, %and3A_601, %broadcast_in_dim3A_573], %get3A_592 : memref<50x4x8x17xf32, #tpu.memory_space<vmem>>[vector<16xi32>, vector<16xi32>, vector<16xi32>, vector<16xi32>], vector<16xf32>,
        %broadcast_in_dim3A_602 = arith.constant 9 : i32
        %broadcast_in_dim3A_603 = vector.broadcast %broadcast_in_dim3A_602 : i32 to vector<16xi32>
        %add3A_604 = arith.constant 450 : i32
        %add3A_605 = arith.addi %add3A_604, %scan3A_330 : i32
        %get3A_606 = arith.index_cast %add3A_605 : i32 to index
        %get3A_607 = arith.constant 0 : index
        %get3A_608 = tpu.vector_load %arg7[%get3A_606, %get3A_607] {strides = array<i32>} : memref<800x32xf32, #tpu.memory_space<vmem>>, vector<16xf32>,
        %add3A_609 = arith.constant 0 : i32
        %add3A_610 = vector.broadcast %add3A_609 : i32 to vector<16xi32>
        %add3A_611 = arith.addi %iota3A, %add3A_610 : vector<16xi32>
        %shift_right_arithmetic3A_612 = arith.constant 3 : i32
        %shift_right_arithmetic3A_613 = vector.broadcast %shift_right_arithmetic3A_612 : i32 to vector<16xi32>
        %shift_right_arithmetic3A_614 = arith.shrsi %add3A_611, %shift_right_arithmetic3A_613 : vector<16xi32>
        %and3A_615 = arith.constant 7 : i32
        %and3A_616 = vector.broadcast %and3A_615 : i32 to vector<16xi32>
        %and3A_617 = arith.andi %add3A_611, %and3A_616 : vector<16xi32>
        tpu.vector_store_idx %arg9[%add3A_333, %shift_right_arithmetic3A_614, %and3A_617, %broadcast_in_dim3A_603], %get3A_608 : memref<50x4x8x17xf32, #tpu.memory_space<vmem>>[vector<16xi32>, vector<16xi32>, vector<16xi32>, vector<16xi32>], vector<16xf32>,
        %add3A_618 = arith.constant 450 : i32
        %add3A_619 = arith.addi %add3A_618, %scan3A_330 : i32
        %get3A_620 = arith.index_cast %add3A_619 : i32 to index
        %get3A_621 = arith.constant 16 : index
        %get3A_622 = tpu.vector_load %arg7[%get3A_620, %get3A_621] {strides = array<i32>} : memref<800x32xf32, #tpu.memory_space<vmem>>, vector<16xf32>,
        %add3A_623 = arith.constant 16 : i32
        %add3A_624 = vector.broadcast %add3A_623 : i32 to vector<16xi32>
        %add3A_625 = arith.addi %iota3A, %add3A_624 : vector<16xi32>
        %shift_right_arithmetic3A_626 = arith.constant 3 : i32
        %shift_right_arithmetic3A_627 = vector.broadcast %shift_right_arithmetic3A_626 : i32 to vector<16xi32>
        %shift_right_arithmetic3A_628 = arith.shrsi %add3A_625, %shift_right_arithmetic3A_627 : vector<16xi32>
        %and3A_629 = arith.constant 7 : i32
        %and3A_630 = vector.broadcast %and3A_629 : i32 to vector<16xi32>
        %and3A_631 = arith.andi %add3A_625, %and3A_630 : vector<16xi32>
        tpu.vector_store_idx %arg9[%add3A_333, %shift_right_arithmetic3A_628, %and3A_631, %broadcast_in_dim3A_603], %get3A_622 : memref<50x4x8x17xf32, #tpu.memory_space<vmem>>[vector<16xi32>, vector<16xi32>, vector<16xi32>, vector<16xi32>], vector<16xf32>,
        %broadcast_in_dim3A_632 = arith.constant 10 : i32
        %broadcast_in_dim3A_633 = vector.broadcast %broadcast_in_dim3A_632 : i32 to vector<16xi32>
        %add3A_634 = arith.constant 500 : i32
        %add3A_635 = arith.addi %add3A_634, %scan3A_330 : i32
        %get3A_636 = arith.index_cast %add3A_635 : i32 to index
        %get3A_637 = arith.constant 0 : index
        %get3A_638 = tpu.vector_load %arg7[%get3A_636, %get3A_637] {strides = array<i32>} : memref<800x32xf32, #tpu.memory_space<vmem>>, vector<16xf32>,
        %add3A_639 = arith.constant 0 : i32
        %add3A_640 = vector.broadcast %add3A_639 : i32 to vector<16xi32>
        %add3A_641 = arith.addi %iota3A, %add3A_640 : vector<16xi32>
        %shift_right_arithmetic3A_642 = arith.constant 3 : i32
        %shift_right_arithmetic3A_643 = vector.broadcast %shift_right_arithmetic3A_642 : i32 to vector<16xi32>
        %shift_right_arithmetic3A_644 = arith.shrsi %add3A_641, %shift_right_arithmetic3A_643 : vector<16xi32>
        %and3A_645 = arith.constant 7 : i32
        %and3A_646 = vector.broadcast %and3A_645 : i32 to vector<16xi32>
        %and3A_647 = arith.andi %add3A_641, %and3A_646 : vector<16xi32>
        tpu.vector_store_idx %arg9[%add3A_333, %shift_right_arithmetic3A_644, %and3A_647, %broadcast_in_dim3A_633], %get3A_638 : memref<50x4x8x17xf32, #tpu.memory_space<vmem>>[vector<16xi32>, vector<16xi32>, vector<16xi32>, vector<16xi32>], vector<16xf32>,
        %add3A_648 = arith.constant 500 : i32
        %add3A_649 = arith.addi %add3A_648, %scan3A_330 : i32
        %get3A_650 = arith.index_cast %add3A_649 : i32 to index
        %get3A_651 = arith.constant 16 : index
        %get3A_652 = tpu.vector_load %arg7[%get3A_650, %get3A_651] {strides = array<i32>} : memref<800x32xf32, #tpu.memory_space<vmem>>, vector<16xf32>,
        %add3A_653 = arith.constant 16 : i32
        %add3A_654 = vector.broadcast %add3A_653 : i32 to vector<16xi32>
        %add3A_655 = arith.addi %iota3A, %add3A_654 : vector<16xi32>
        %shift_right_arithmetic3A_656 = arith.constant 3 : i32
        %shift_right_arithmetic3A_657 = vector.broadcast %shift_right_arithmetic3A_656 : i32 to vector<16xi32>
        %shift_right_arithmetic3A_658 = arith.shrsi %add3A_655, %shift_right_arithmetic3A_657 : vector<16xi32>
        %and3A_659 = arith.constant 7 : i32
        %and3A_660 = vector.broadcast %and3A_659 : i32 to vector<16xi32>
        %and3A_661 = arith.andi %add3A_655, %and3A_660 : vector<16xi32>
        tpu.vector_store_idx %arg9[%add3A_333, %shift_right_arithmetic3A_658, %and3A_661, %broadcast_in_dim3A_633], %get3A_652 : memref<50x4x8x17xf32, #tpu.memory_space<vmem>>[vector<16xi32>, vector<16xi32>, vector<16xi32>, vector<16xi32>], vector<16xf32>,
        %broadcast_in_dim3A_662 = arith.constant 11 : i32
        %broadcast_in_dim3A_663 = vector.broadcast %broadcast_in_dim3A_662 : i32 to vector<16xi32>
        %add3A_664 = arith.constant 550 : i32
        %add3A_665 = arith.addi %add3A_664, %scan3A_330 : i32
        %get3A_666 = arith.index_cast %add3A_665 : i32 to index
        %get3A_667 = arith.constant 0 : index
        %get3A_668 = tpu.vector_load %arg7[%get3A_666, %get3A_667] {strides = array<i32>} : memref<800x32xf32, #tpu.memory_space<vmem>>, vector<16xf32>,
        %add3A_669 = arith.constant 0 : i32
        %add3A_670 = vector.broadcast %add3A_669 : i32 to vector<16xi32>
        %add3A_671 = arith.addi %iota3A, %add3A_670 : vector<16xi32>
        %shift_right_arithmetic3A_672 = arith.constant 3 : i32
        %shift_right_arithmetic3A_673 = vector.broadcast %shift_right_arithmetic3A_672 : i32 to vector<16xi32>
        %shift_right_arithmetic3A_674 = arith.shrsi %add3A_671, %shift_right_arithmetic3A_673 : vector<16xi32>
        %and3A_675 = arith.constant 7 : i32
        %and3A_676 = vector.broadcast %and3A_675 : i32 to vector<16xi32>
        %and3A_677 = arith.andi %add3A_671, %and3A_676 : vector<16xi32>
        tpu.vector_store_idx %arg9[%add3A_333, %shift_right_arithmetic3A_674, %and3A_677, %broadcast_in_dim3A_663], %get3A_668 : memref<50x4x8x17xf32, #tpu.memory_space<vmem>>[vector<16xi32>, vector<16xi32>, vector<16xi32>, vector<16xi32>], vector<16xf32>,
        %add3A_678 = arith.constant 550 : i32
        %add3A_679 = arith.addi %add3A_678, %scan3A_330 : i32
        %get3A_680 = arith.index_cast %add3A_679 : i32 to index
        %get3A_681 = arith.constant 16 : index
        %get3A_682 = tpu.vector_load %arg7[%get3A_680, %get3A_681] {strides = array<i32>} : memref<800x32xf32, #tpu.memory_space<vmem>>, vector<16xf32>,
        %add3A_683 = arith.constant 16 : i32
        %add3A_684 = vector.broadcast %add3A_683 : i32 to vector<16xi32>
        %add3A_685 = arith.addi %iota3A, %add3A_684 : vector<16xi32>
        %shift_right_arithmetic3A_686 = arith.constant 3 : i32
        %shift_right_arithmetic3A_687 = vector.broadcast %shift_right_arithmetic3A_686 : i32 to vector<16xi32>
        %shift_right_arithmetic3A_688 = arith.shrsi %add3A_685, %shift_right_arithmetic3A_687 : vector<16xi32>
        %and3A_689 = arith.constant 7 : i32
        %and3A_690 = vector.broadcast %and3A_689 : i32 to vector<16xi32>
        %and3A_691 = arith.andi %add3A_685, %and3A_690 : vector<16xi32>
        tpu.vector_store_idx %arg9[%add3A_333, %shift_right_arithmetic3A_688, %and3A_691, %broadcast_in_dim3A_663], %get3A_682 : memref<50x4x8x17xf32, #tpu.memory_space<vmem>>[vector<16xi32>, vector<16xi32>, vector<16xi32>, vector<16xi32>], vector<16xf32>,
        %broadcast_in_dim3A_692 = arith.constant 12 : i32
        %broadcast_in_dim3A_693 = vector.broadcast %broadcast_in_dim3A_692 : i32 to vector<16xi32>
        %add3A_694 = arith.constant 600 : i32
        %add3A_695 = arith.addi %add3A_694, %scan3A_330 : i32
        %get3A_696 = arith.index_cast %add3A_695 : i32 to index
        %get3A_697 = arith.constant 0 : index
        %get3A_698 = tpu.vector_load %arg7[%get3A_696, %get3A_697] {strides = array<i32>} : memref<800x32xf32, #tpu.memory_space<vmem>>, vector<16xf32>,
        %add3A_699 = arith.constant 0 : i32
        %add3A_700 = vector.broadcast %add3A_699 : i32 to vector<16xi32>
        %add3A_701 = arith.addi %iota3A, %add3A_700 : vector<16xi32>
        %shift_right_arithmetic3A_702 = arith.constant 3 : i32
        %shift_right_arithmetic3A_703 = vector.broadcast %shift_right_arithmetic3A_702 : i32 to vector<16xi32>
        %shift_right_arithmetic3A_704 = arith.shrsi %add3A_701, %shift_right_arithmetic3A_703 : vector<16xi32>
        %and3A_705 = arith.constant 7 : i32
        %and3A_706 = vector.broadcast %and3A_705 : i32 to vector<16xi32>
        %and3A_707 = arith.andi %add3A_701, %and3A_706 : vector<16xi32>
        tpu.vector_store_idx %arg9[%add3A_333, %shift_right_arithmetic3A_704, %and3A_707, %broadcast_in_dim3A_693], %get3A_698 : memref<50x4x8x17xf32, #tpu.memory_space<vmem>>[vector<16xi32>, vector<16xi32>, vector<16xi32>, vector<16xi32>], vector<16xf32>,
        %add3A_708 = arith.constant 600 : i32
        %add3A_709 = arith.addi %add3A_708, %scan3A_330 : i32
        %get3A_710 = arith.index_cast %add3A_709 : i32 to index
        %get3A_711 = arith.constant 16 : index
        %get3A_712 = tpu.vector_load %arg7[%get3A_710, %get3A_711] {strides = array<i32>} : memref<800x32xf32, #tpu.memory_space<vmem>>, vector<16xf32>,
        %add3A_713 = arith.constant 16 : i32
        %add3A_714 = vector.broadcast %add3A_713 : i32 to vector<16xi32>
        %add3A_715 = arith.addi %iota3A, %add3A_714 : vector<16xi32>
        %shift_right_arithmetic3A_716 = arith.constant 3 : i32
        %shift_right_arithmetic3A_717 = vector.broadcast %shift_right_arithmetic3A_716 : i32 to vector<16xi32>
        %shift_right_arithmetic3A_718 = arith.shrsi %add3A_715, %shift_right_arithmetic3A_717 : vector<16xi32>
        %and3A_719 = arith.constant 7 : i32
        %and3A_720 = vector.broadcast %and3A_719 : i32 to vector<16xi32>
        %and3A_721 = arith.andi %add3A_715, %and3A_720 : vector<16xi32>
        tpu.vector_store_idx %arg9[%add3A_333, %shift_right_arithmetic3A_718, %and3A_721, %broadcast_in_dim3A_693], %get3A_712 : memref<50x4x8x17xf32, #tpu.memory_space<vmem>>[vector<16xi32>, vector<16xi32>, vector<16xi32>, vector<16xi32>], vector<16xf32>,
        %broadcast_in_dim3A_722 = arith.constant 13 : i32
        %broadcast_in_dim3A_723 = vector.broadcast %broadcast_in_dim3A_722 : i32 to vector<16xi32>
        %add3A_724 = arith.constant 650 : i32
        %add3A_725 = arith.addi %add3A_724, %scan3A_330 : i32
        %get3A_726 = arith.index_cast %add3A_725 : i32 to index
        %get3A_727 = arith.constant 0 : index
        %get3A_728 = tpu.vector_load %arg7[%get3A_726, %get3A_727] {strides = array<i32>} : memref<800x32xf32, #tpu.memory_space<vmem>>, vector<16xf32>,
        %add3A_729 = arith.constant 0 : i32
        %add3A_730 = vector.broadcast %add3A_729 : i32 to vector<16xi32>
        %add3A_731 = arith.addi %iota3A, %add3A_730 : vector<16xi32>
        %shift_right_arithmetic3A_732 = arith.constant 3 : i32
        %shift_right_arithmetic3A_733 = vector.broadcast %shift_right_arithmetic3A_732 : i32 to vector<16xi32>
        %shift_right_arithmetic3A_734 = arith.shrsi %add3A_731, %shift_right_arithmetic3A_733 : vector<16xi32>
        %and3A_735 = arith.constant 7 : i32
        %and3A_736 = vector.broadcast %and3A_735 : i32 to vector<16xi32>
        %and3A_737 = arith.andi %add3A_731, %and3A_736 : vector<16xi32>
        tpu.vector_store_idx %arg9[%add3A_333, %shift_right_arithmetic3A_734, %and3A_737, %broadcast_in_dim3A_723], %get3A_728 : memref<50x4x8x17xf32, #tpu.memory_space<vmem>>[vector<16xi32>, vector<16xi32>, vector<16xi32>, vector<16xi32>], vector<16xf32>,
        %add3A_738 = arith.constant 650 : i32
        %add3A_739 = arith.addi %add3A_738, %scan3A_330 : i32
        %get3A_740 = arith.index_cast %add3A_739 : i32 to index
        %get3A_741 = arith.constant 16 : index
        %get3A_742 = tpu.vector_load %arg7[%get3A_740, %get3A_741] {strides = array<i32>} : memref<800x32xf32, #tpu.memory_space<vmem>>, vector<16xf32>,
        %add3A_743 = arith.constant 16 : i32
        %add3A_744 = vector.broadcast %add3A_743 : i32 to vector<16xi32>
        %add3A_745 = arith.addi %iota3A, %add3A_744 : vector<16xi32>
        %shift_right_arithmetic3A_746 = arith.constant 3 : i32
        %shift_right_arithmetic3A_747 = vector.broadcast %shift_right_arithmetic3A_746 : i32 to vector<16xi32>
        %shift_right_arithmetic3A_748 = arith.shrsi %add3A_745, %shift_right_arithmetic3A_747 : vector<16xi32>
        %and3A_749 = arith.constant 7 : i32
        %and3A_750 = vector.broadcast %and3A_749 : i32 to vector<16xi32>
        %and3A_751 = arith.andi %add3A_745, %and3A_750 : vector<16xi32>
        tpu.vector_store_idx %arg9[%add3A_333, %shift_right_arithmetic3A_748, %and3A_751, %broadcast_in_dim3A_723], %get3A_742 : memref<50x4x8x17xf32, #tpu.memory_space<vmem>>[vector<16xi32>, vector<16xi32>, vector<16xi32>, vector<16xi32>], vector<16xf32>,
        %broadcast_in_dim3A_752 = arith.constant 14 : i32
        %broadcast_in_dim3A_753 = vector.broadcast %broadcast_in_dim3A_752 : i32 to vector<16xi32>
        %add3A_754 = arith.constant 700 : i32
        %add3A_755 = arith.addi %add3A_754, %scan3A_330 : i32
        %get3A_756 = arith.index_cast %add3A_755 : i32 to index
        %get3A_757 = arith.constant 0 : index
        %get3A_758 = tpu.vector_load %arg7[%get3A_756, %get3A_757] {strides = array<i32>} : memref<800x32xf32, #tpu.memory_space<vmem>>, vector<16xf32>,
        %add3A_759 = arith.constant 0 : i32
        %add3A_760 = vector.broadcast %add3A_759 : i32 to vector<16xi32>
        %add3A_761 = arith.addi %iota3A, %add3A_760 : vector<16xi32>
        %shift_right_arithmetic3A_762 = arith.constant 3 : i32
        %shift_right_arithmetic3A_763 = vector.broadcast %shift_right_arithmetic3A_762 : i32 to vector<16xi32>
        %shift_right_arithmetic3A_764 = arith.shrsi %add3A_761, %shift_right_arithmetic3A_763 : vector<16xi32>
        %and3A_765 = arith.constant 7 : i32
        %and3A_766 = vector.broadcast %and3A_765 : i32 to vector<16xi32>
        %and3A_767 = arith.andi %add3A_761, %and3A_766 : vector<16xi32>
        tpu.vector_store_idx %arg9[%add3A_333, %shift_right_arithmetic3A_764, %and3A_767, %broadcast_in_dim3A_753], %get3A_758 : memref<50x4x8x17xf32, #tpu.memory_space<vmem>>[vector<16xi32>, vector<16xi32>, vector<16xi32>, vector<16xi32>], vector<16xf32>,
        %add3A_768 = arith.constant 700 : i32
        %add3A_769 = arith.addi %add3A_768, %scan3A_330 : i32
        %get3A_770 = arith.index_cast %add3A_769 : i32 to index
        %get3A_771 = arith.constant 16 : index
        %get3A_772 = tpu.vector_load %arg7[%get3A_770, %get3A_771] {strides = array<i32>} : memref<800x32xf32, #tpu.memory_space<vmem>>, vector<16xf32>,
        %add3A_773 = arith.constant 16 : i32
        %add3A_774 = vector.broadcast %add3A_773 : i32 to vector<16xi32>
        %add3A_775 = arith.addi %iota3A, %add3A_774 : vector<16xi32>
        %shift_right_arithmetic3A_776 = arith.constant 3 : i32
        %shift_right_arithmetic3A_777 = vector.broadcast %shift_right_arithmetic3A_776 : i32 to vector<16xi32>
        %shift_right_arithmetic3A_778 = arith.shrsi %add3A_775, %shift_right_arithmetic3A_777 : vector<16xi32>
        %and3A_779 = arith.constant 7 : i32
        %and3A_780 = vector.broadcast %and3A_779 : i32 to vector<16xi32>
        %and3A_781 = arith.andi %add3A_775, %and3A_780 : vector<16xi32>
        tpu.vector_store_idx %arg9[%add3A_333, %shift_right_arithmetic3A_778, %and3A_781, %broadcast_in_dim3A_753], %get3A_772 : memref<50x4x8x17xf32, #tpu.memory_space<vmem>>[vector<16xi32>, vector<16xi32>, vector<16xi32>, vector<16xi32>], vector<16xf32>,
        %broadcast_in_dim3A_782 = arith.constant 15 : i32
        %broadcast_in_dim3A_783 = vector.broadcast %broadcast_in_dim3A_782 : i32 to vector<16xi32>
        %add3A_784 = arith.constant 750 : i32
        %add3A_785 = arith.addi %add3A_784, %scan3A_330 : i32
        %get3A_786 = arith.index_cast %add3A_785 : i32 to index
        %get3A_787 = arith.constant 0 : index
        %get3A_788 = tpu.vector_load %arg7[%get3A_786, %get3A_787] {strides = array<i32>} : memref<800x32xf32, #tpu.memory_space<vmem>>, vector<16xf32>,
        %add3A_789 = arith.constant 0 : i32
        %add3A_790 = vector.broadcast %add3A_789 : i32 to vector<16xi32>
        %add3A_791 = arith.addi %iota3A, %add3A_790 : vector<16xi32>
        %shift_right_arithmetic3A_792 = arith.constant 3 : i32
        %shift_right_arithmetic3A_793 = vector.broadcast %shift_right_arithmetic3A_792 : i32 to vector<16xi32>
        %shift_right_arithmetic3A_794 = arith.shrsi %add3A_791, %shift_right_arithmetic3A_793 : vector<16xi32>
        %and3A_795 = arith.constant 7 : i32
        %and3A_796 = vector.broadcast %and3A_795 : i32 to vector<16xi32>
        %and3A_797 = arith.andi %add3A_791, %and3A_796 : vector<16xi32>
        tpu.vector_store_idx %arg9[%add3A_333, %shift_right_arithmetic3A_794, %and3A_797, %broadcast_in_dim3A_783], %get3A_788 : memref<50x4x8x17xf32, #tpu.memory_space<vmem>>[vector<16xi32>, vector<16xi32>, vector<16xi32>, vector<16xi32>], vector<16xf32>,
        %add3A_798 = arith.constant 750 : i32
        %add3A_799 = arith.addi %add3A_798, %scan3A_330 : i32
        %get3A_800 = arith.index_cast %add3A_799 : i32 to index
        %get3A_801 = arith.constant 16 : index
        %get3A_802 = tpu.vector_load %arg7[%get3A_800, %get3A_801] {strides = array<i32>} : memref<800x32xf32, #tpu.memory_space<vmem>>, vector<16xf32>,
        %add3A_803 = arith.constant 16 : i32
        %add3A_804 = vector.broadcast %add3A_803 : i32 to vector<16xi32>
        %add3A_805 = arith.addi %iota3A, %add3A_804 : vector<16xi32>
        %shift_right_arithmetic3A_806 = arith.constant 3 : i32
        %shift_right_arithmetic3A_807 = vector.broadcast %shift_right_arithmetic3A_806 : i32 to vector<16xi32>
        %shift_right_arithmetic3A_808 = arith.shrsi %add3A_805, %shift_right_arithmetic3A_807 : vector<16xi32>
        %and3A_809 = arith.constant 7 : i32
        %and3A_810 = vector.broadcast %and3A_809 : i32 to vector<16xi32>
        %and3A_811 = arith.andi %add3A_805, %and3A_810 : vector<16xi32>
        tpu.vector_store_idx %arg9[%add3A_333, %shift_right_arithmetic3A_808, %and3A_811, %broadcast_in_dim3A_783], %get3A_802 : memref<50x4x8x17xf32, #tpu.memory_space<vmem>>[vector<16xi32>, vector<16xi32>, vector<16xi32>, vector<16xi32>], vector<16xf32>,
      }
      %scan3A_168 = arith.constant 50 : i32
      %mul3A_169 = arith.constant 16 : i32
      %mul3A_170 = arith.muli %add3A_145, %mul3A_169 : i32
      %add3A_171 = arith.addi %mul3A_2, %mul3A_170 : i32
      %jit3A_172 = arith.constant 128 : i32
      %div3A_173 = arith.divsi %add3A_171, %jit3A_172 : i32
      %sign3A_174 = arith.constant 0 : i32
      %sign3A_175 = arith.cmpi sgt, %add3A_171, %sign3A_174 : i32
      %sign3A_176 = arith.extui %sign3A_175 : i1 to i32
      %sign3A_177 = arith.constant 0 : i32
      %sign3A_178 = arith.cmpi slt, %add3A_171, %sign3A_177 : i32
      %sign3A_179 = arith.extui %sign3A_178 : i1 to i32
      %sign3A_180 = arith.subi %sign3A_176, %sign3A_179 : i32
      %sign3A_181 = arith.constant 0 : i32
      %sign3A_182 = arith.cmpi sgt, %jit3A_172, %sign3A_181 : i32
      %sign3A_183 = arith.extui %sign3A_182 : i1 to i32
      %sign3A_184 = arith.constant 0 : i32
      %sign3A_185 = arith.cmpi slt, %jit3A_172, %sign3A_184 : i32
      %sign3A_186 = arith.extui %sign3A_185 : i1 to i32
      %sign3A_187 = arith.subi %sign3A_183, %sign3A_186 : i32
      %ne3A_188 = arith.cmpi ne, %sign3A_180, %sign3A_187 : i32
      %rem3A_189 = arith.remsi %add3A_171, %jit3A_172 : i32
      %ne3A_190 = arith.constant 0 : i32
      %ne3A_191 = arith.cmpi ne, %rem3A_189, %ne3A_190 : i32
      %and3A_192 = arith.andi %ne3A_188, %ne3A_191 : i1
      %sub3A_193 = arith.constant 1 : i32
      %sub3A_194 = arith.subi %div3A_173, %sub3A_193 : i32
      %select_n3A_195 = arith.select %and3A_192, %sub3A_194, %div3A_173 : i32
      %jit3A_196 = arith.constant 128 : i32
      %eq3A_197 = arith.constant 0 : i32
      %eq3A_198 = arith.cmpi eq, %jit3A_196, %eq3A_197 : i32
      %jit3A_199 = arith.constant 1 : i32
      %select_n3A_200 = arith.select %eq3A_198, %jit3A_199, %jit3A_196 : i32
      %rem3A_201 = arith.remsi %add3A_171, %select_n3A_200 : i32
      %ne3A_202 = arith.constant 0 : i32
      %ne3A_203 = arith.cmpi ne, %rem3A_201, %ne3A_202 : i32
      %lt3A_204 = arith.constant 0 : i32
      %lt3A_205 = arith.cmpi slt, %rem3A_201, %lt3A_204 : i32
      %lt3A_206 = arith.constant 0 : i32
      %lt3A_207 = arith.cmpi slt, %select_n3A_200, %lt3A_206 : i32
      %ne3A_208 = arith.xori %lt3A_205, %lt3A_207 : i1
      %and3A_209 = arith.andi %ne3A_208, %ne3A_203 : i1
      %add3A_210 = arith.addi %rem3A_201, %select_n3A_200 : i32
      %select_n3A_211 = arith.select %and3A_209, %add3A_210, %rem3A_201 : i32
      %dma_start3A_212 = arith.constant 0 : i32
      %dma_start3A_213 = arith.constant 0 : i32
      %dma_start3A_214 = arith.constant 0 : i32
      %dma_start3A_215 = arith.constant 0 : i32
      %dma_start3A_216 = tpu.memref_slice %arg9[%dma_start3A_212, %dma_start3A_213, %dma_start3A_214, %dma_start3A_215] : memref<50x4x8x17xf32, #tpu.memory_space<vmem>> -> memref<50x4x8x16xf32, #tpu.memory_space<vmem>>
      %dma_start3A_217 = arith.constant 0 : i32
      %dma_start3A_218 = arith.constant 0 : i32
      %dma_start3A_219 = arith.constant 0 : i32
      %dma_start3A_220 = tpu.memref_slice %arg4[%dma_start3A_217, %dma_start3A_218, %select_n3A_195, %dma_start3A_219, %select_n3A_211] : memref<50x4x128x8x128xf32, #tpu.memory_space<hbm>> -> memref<50x4x1x8x16xf32, #tpu.memory_space<hbm>>
      %dma_start3A_221 = tpu.memref_squeeze %dma_start3A_220 : memref<50x4x1x8x16xf32, #tpu.memory_space<hbm>> -> memref<50x4x8x16xf32, #tpu.memory_space<hbm>>
      %dma_start3A_222 = arith.constant 0 : i32
      %dma_start3A_223 = arith.constant 0 : i32
      %dma_start3A_224 = arith.constant 0 : i32
      %dma_start3A_225 = tpu.memref_slice %arg4[%dma_start3A_222, %dma_start3A_223, %select_n3A_195, %dma_start3A_224, %select_n3A_211] : memref<50x4x128x8x128xf32, #tpu.memory_space<hbm>> -> memref<50x4x1x8x16xf32, #tpu.memory_space<hbm>>
      %dma_start3A_226 = tpu.memref_squeeze %dma_start3A_225 : memref<50x4x1x8x16xf32, #tpu.memory_space<hbm>> -> memref<50x4x8x16xf32, #tpu.memory_space<hbm>>
      %dma_start3A_227 = arith.constant 0 : i32
      %dma_start3A_228 = arith.constant 0 : i32
      %dma_start3A_229 = arith.constant 0 : i32
      %dma_start3A_230 = arith.constant 0 : i32
      %dma_start3A_231 = tpu.memref_slice %arg9[%dma_start3A_227, %dma_start3A_228, %dma_start3A_229, %dma_start3A_230] : memref<50x4x8x17xf32, #tpu.memory_space<vmem>> -> memref<50x4x8x16xf32, #tpu.memory_space<vmem>>
      tpu.enqueue_dma source(%dma_start3A_231 : memref<50x4x8x16xf32, #tpu.memory_space<vmem>>) target(%dma_start3A_226 : memref<50x4x8x16xf32, #tpu.memory_space<hbm>>) target_semaphore(%arg15 : memref<!tpu.dma_semaphore, #tpu.memory_space<semaphore_mem>>)
      %lt3A_232 = arith.constant 15 : i32
      %lt3A_233 = arith.cmpi slt, %scan3A_141, %lt3A_232 : i32
      %convert_element_type3A_234 = arith.extui %lt3A_233 : i1 to i32
      %cond3A_235 = arith.constant 0 : i32
      %cond3A_236 = arith.cmpi ne, %convert_element_type3A_234, %cond3A_235 : i32
      scf.if %cond3A_236 {
        %add3A_330 = arith.constant 2 : i32
        %add3A_331 = arith.addi %add3A_145, %add3A_330 : i32
        %mul3A_332 = arith.constant 16 : i32
        %mul3A_333 = arith.muli %add3A_331, %mul3A_332 : i32
        %add3A_334 = arith.addi %mul3A_2, %mul3A_333 : i32
        %mul3A_335 = arith.constant 50 : i32
        %mul3A_336 = arith.muli %add3A_334, %mul3A_335 : i32
        %dma_start3A_337 = tpu.memref_slice %arg2[%mul3A_336] : memref<819200xi32, #tpu.memory_space<hbm>> -> memref<800xi32, #tpu.memory_space<hbm>>
        %dma_start3A_338 = tpu.memref_slice %arg2[%mul3A_336] : memref<819200xi32, #tpu.memory_space<hbm>> -> memref<800xi32, #tpu.memory_space<hbm>>
        tpu.enqueue_dma source(%dma_start3A_338 : memref<800xi32, #tpu.memory_space<hbm>>) target(%arg5 : memref<800xi32, #tpu.memory_space<vmem>>) target_semaphore(%arg11 : memref<!tpu.dma_semaphore, #tpu.memory_space<semaphore_mem>>)
      } else {
      }
      %mul3A_237 = arith.constant 2 : i32
      %mul3A_238 = arith.muli %mul3A_237, %scan3A_141 : i32
      %add3A_239 = arith.constant 1 : i32
      %add3A_240 = arith.addi %mul3A_238, %add3A_239 : i32
      %add3A_241 = arith.constant 1 : i32
      %add3A_242 = arith.addi %add3A_240, %add3A_241 : i32
      %lt3A_243 = arith.constant 15 : i32
      %lt3A_244 = arith.cmpi slt, %scan3A_141, %lt3A_243 : i32
      %convert_element_type3A_245 = arith.extui %lt3A_244 : i1 to i32
      %cond3A_246 = arith.constant 0 : i32
      %cond3A_247 = arith.cmpi ne, %convert_element_type3A_245, %cond3A_246 : i32
      scf.if %cond3A_247 {
        %mul3A_330 = arith.constant 16 : i32
        %mul3A_331 = arith.muli %add3A_242, %mul3A_330 : i32
        %add3A_332 = arith.addi %mul3A_2, %mul3A_331 : i32
        %mul3A_333 = arith.constant 50 : i32
        %mul3A_334 = arith.muli %add3A_332, %mul3A_333 : i32
        %dma_wait3A_335 = tpu.memref_slice %arg2[%mul3A_334] : memref<819200xi32, #tpu.memory_space<hbm>> -> memref<800xi32, #tpu.memory_space<hbm>>
        %dma_wait3A_336 = tpu.memref_slice %arg2[%mul3A_334] : memref<819200xi32, #tpu.memory_space<hbm>> -> memref<800xi32, #tpu.memory_space<hbm>>
        tpu.wait_dma2 semaphore(%arg11 : memref<!tpu.dma_semaphore, #tpu.memory_space<semaphore_mem>>) src(%dma_wait3A_336 : memref<800xi32, #tpu.memory_space<hbm>>) dst(%arg5 : memref<800xi32, #tpu.memory_space<vmem>>)
        %dma_start3A_337 = arith.constant 0 : i32
        %dma_start3A_338 = arith.constant 0 : i32
        %dma_start3A_339 = tpu.memref_slice %arg3[%dma_start3A_337, %dma_start3A_338] : memref<1000000x32xf32, #tpu.memory_space<hbm>> -> memref<1000000x32xf32, #tpu.memory_space<hbm>>
        tpu.enqueue_indirect_dma source(%dma_start3A_339 : memref<1000000x32xf32, #tpu.memory_space<hbm>>) target(%arg7 : memref<800x32xf32, #tpu.memory_space<vmem>>) offsets(%arg5 : memref<800xi32, #tpu.memory_space<vmem>>) semaphore(%arg13 : memref<!tpu.dma_semaphore, #tpu.memory_space<semaphore_mem>>)
      } else {
      }
      %dma_wait3A_248 = arith.constant 0 : i32
      %dma_wait3A_249 = arith.constant 0 : i32
      %dma_wait3A_250 = tpu.memref_slice %arg3[%dma_wait3A_248, %dma_wait3A_249] : memref<1000000x32xf32, #tpu.memory_space<hbm>> -> memref<1000000x32xf32, #tpu.memory_space<hbm>>
      tpu.wait_indirect_dma semaphore(%arg14 : memref<!tpu.dma_semaphore, #tpu.memory_space<semaphore_mem>>) src(%dma_wait3A_250 : memref<1000000x32xf32, #tpu.memory_space<hbm>>) dst(%arg8 : memref<800x32xf32, #tpu.memory_space<vmem>>)
      %ge3A_251 = arith.constant 1 : i32
      %ge3A_252 = arith.cmpi sge, %scan3A_141, %ge3A_251 : i32
      %convert_element_type3A_253 = arith.extui %ge3A_252 : i1 to i32
      %cond3A_254 = arith.constant 0 : i32
      %cond3A_255 = arith.cmpi ne, %convert_element_type3A_253, %cond3A_254 : i32
      scf.if %cond3A_255 {
        %mul3A_330 = arith.constant 16 : i32
        %mul3A_331 = arith.muli %add3A_240, %mul3A_330 : i32
        %add3A_332 = arith.addi %mul3A_2, %mul3A_331 : i32
        %jit3A_333 = arith.constant 128 : i32
        %div3A_334 = arith.divsi %add3A_332, %jit3A_333 : i32
        %sign3A_335 = arith.constant 0 : i32
        %sign3A_336 = arith.cmpi sgt, %add3A_332, %sign3A_335 : i32
        %sign3A_337 = arith.extui %sign3A_336 : i1 to i32
        %sign3A_338 = arith.constant 0 : i32
        %sign3A_339 = arith.cmpi slt, %add3A_332, %sign3A_338 : i32
        %sign3A_340 = arith.extui %sign3A_339 : i1 to i32
        %sign3A_341 = arith.subi %sign3A_337, %sign3A_340 : i32
        %sign3A_342 = arith.constant 0 : i32
        %sign3A_343 = arith.cmpi sgt, %jit3A_333, %sign3A_342 : i32
        %sign3A_344 = arith.extui %sign3A_343 : i1 to i32
        %sign3A_345 = arith.constant 0 : i32
        %sign3A_346 = arith.cmpi slt, %jit3A_333, %sign3A_345 : i32
        %sign3A_347 = arith.extui %sign3A_346 : i1 to i32
        %sign3A_348 = arith.subi %sign3A_344, %sign3A_347 : i32
        %ne3A_349 = arith.cmpi ne, %sign3A_341, %sign3A_348 : i32
        %rem3A_350 = arith.remsi %add3A_332, %jit3A_333 : i32
        %ne3A_351 = arith.constant 0 : i32
        %ne3A_352 = arith.cmpi ne, %rem3A_350, %ne3A_351 : i32
        %and3A_353 = arith.andi %ne3A_349, %ne3A_352 : i1
        %sub3A_354 = arith.constant 1 : i32
        %sub3A_355 = arith.subi %div3A_334, %sub3A_354 : i32
        %select_n3A_356 = arith.select %and3A_353, %sub3A_355, %div3A_334 : i32
        %jit3A_357 = arith.constant 128 : i32
        %eq3A_358 = arith.constant 0 : i32
        %eq3A_359 = arith.cmpi eq, %jit3A_357, %eq3A_358 : i32
        %jit3A_360 = arith.constant 1 : i32
        %select_n3A_361 = arith.select %eq3A_359, %jit3A_360, %jit3A_357 : i32
        %rem3A_362 = arith.remsi %add3A_332, %select_n3A_361 : i32
        %ne3A_363 = arith.constant 0 : i32
        %ne3A_364 = arith.cmpi ne, %rem3A_362, %ne3A_363 : i32
        %lt3A_365 = arith.constant 0 : i32
        %lt3A_366 = arith.cmpi slt, %rem3A_362, %lt3A_365 : i32
        %lt3A_367 = arith.constant 0 : i32
        %lt3A_368 = arith.cmpi slt, %select_n3A_361, %lt3A_367 : i32
        %ne3A_369 = arith.xori %lt3A_366, %lt3A_368 : i1
        %and3A_370 = arith.andi %ne3A_369, %ne3A_364 : i1
        %add3A_371 = arith.addi %rem3A_362, %select_n3A_361 : i32
        %select_n3A_372 = arith.select %and3A_370, %add3A_371, %rem3A_362 : i32
        %dma_wait3A_373 = arith.constant 0 : i32
        %dma_wait3A_374 = arith.constant 0 : i32
        %dma_wait3A_375 = arith.constant 0 : i32
        %dma_wait3A_376 = arith.constant 0 : i32
        %dma_wait3A_377 = tpu.memref_slice %arg10[%dma_wait3A_373, %dma_wait3A_374, %dma_wait3A_375, %dma_wait3A_376] : memref<50x4x8x17xf32, #tpu.memory_space<vmem>> -> memref<50x4x8x16xf32, #tpu.memory_space<vmem>>
        %dma_wait3A_378 = arith.constant 0 : i32
        %dma_wait3A_379 = arith.constant 0 : i32
        %dma_wait3A_380 = arith.constant 0 : i32
        %dma_wait3A_381 = tpu.memref_slice %arg4[%dma_wait3A_378, %dma_wait3A_379, %select_n3A_356, %dma_wait3A_380, %select_n3A_372] : memref<50x4x128x8x128xf32, #tpu.memory_space<hbm>> -> memref<50x4x1x8x16xf32, #tpu.memory_space<hbm>>
        %dma_wait3A_382 = tpu.memref_squeeze %dma_wait3A_381 : memref<50x4x1x8x16xf32, #tpu.memory_space<hbm>> -> memref<50x4x8x16xf32, #tpu.memory_space<hbm>>
        %dma_wait3A_383 = arith.constant 0 : i32
        %dma_wait3A_384 = arith.constant 0 : i32
        %dma_wait3A_385 = arith.constant 0 : i32
        %dma_wait3A_386 = tpu.memref_slice %arg4[%dma_wait3A_383, %dma_wait3A_384, %select_n3A_356, %dma_wait3A_385, %select_n3A_372] : memref<50x4x128x8x128xf32, #tpu.memory_space<hbm>> -> memref<50x4x1x8x16xf32, #tpu.memory_space<hbm>>
        %dma_wait3A_387 = tpu.memref_squeeze %dma_wait3A_386 : memref<50x4x1x8x16xf32, #tpu.memory_space<hbm>> -> memref<50x4x8x16xf32, #tpu.memory_space<hbm>>
        %dma_wait3A_388 = arith.constant 0 : i32
        %dma_wait3A_389 = arith.constant 0 : i32
        %dma_wait3A_390 = arith.constant 0 : i32
        %dma_wait3A_391 = arith.constant 0 : i32
        %dma_wait3A_392 = tpu.memref_slice %arg10[%dma_wait3A_388, %dma_wait3A_389, %dma_wait3A_390, %dma_wait3A_391] : memref<50x4x8x17xf32, #tpu.memory_space<vmem>> -> memref<50x4x8x16xf32, #tpu.memory_space<vmem>>
        tpu.wait_dma2 semaphore(%arg16 : memref<!tpu.dma_semaphore, #tpu.memory_space<semaphore_mem>>) src(%dma_wait3A_392 : memref<50x4x8x16xf32, #tpu.memory_space<vmem>>) dst(%dma_wait3A_387 : memref<50x4x8x16xf32, #tpu.memory_space<hbm>>)
      } else {
      }
      %scan3A_256 = arith.constant 0 : i32
      %scan3A_257 = arith.constant 0 : i32
      %scan3A_258 = arith.constant 50 : i32
      %scan3A_259 = arith.addi %scan3A_257, %scan3A_258 : i32
      %scan3A_260 = arith.constant 1 : i32
      scf.for %scan3A_330 = %scan3A_257 to %scan3A_259 step %scan3A_260  : i32 {
        %broadcast_in_dim3A = arith.constant 0 : i32
        %broadcast_in_dim3A_331 = vector.broadcast %broadcast_in_dim3A : i32 to vector<16xi32>
        %add3A_332 = vector.broadcast %scan3A_330 : i32 to vector<16xi32>
        %add3A_333 = arith.addi %broadcast_in_dim3A_331, %add3A_332 : vector<16xi32>
        %broadcast_in_dim3A_334 = arith.constant 0 : i32
        %broadcast_in_dim3A_335 = vector.broadcast %broadcast_in_dim3A_334 : i32 to vector<16xi32>
        %add3A_336 = arith.constant 0 : i32
        %add3A_337 = arith.addi %add3A_336, %scan3A_330 : i32
        %get3A = arith.index_cast %add3A_337 : i32 to index
        %get3A_338 = arith.constant 0 : index
        %get3A_339 = tpu.vector_load %arg8[%get3A, %get3A_338] {strides = array<i32>} : memref<800x32xf32, #tpu.memory_space<vmem>>, vector<16xf32>,
        %add3A_340 = arith.constant 0 : i32
        %add3A_341 = vector.broadcast %add3A_340 : i32 to vector<16xi32>
        %add3A_342 = arith.addi %iota3A, %add3A_341 : vector<16xi32>
        %shift_right_arithmetic3A = arith.constant 3 : i32
        %shift_right_arithmetic3A_343 = vector.broadcast %shift_right_arithmetic3A : i32 to vector<16xi32>
        %shift_right_arithmetic3A_344 = arith.shrsi %add3A_342, %shift_right_arithmetic3A_343 : vector<16xi32>
        %and3A_345 = arith.constant 7 : i32
        %and3A_346 = vector.broadcast %and3A_345 : i32 to vector<16xi32>
        %and3A_347 = arith.andi %add3A_342, %and3A_346 : vector<16xi32>
        tpu.vector_store_idx %arg10[%add3A_333, %shift_right_arithmetic3A_344, %and3A_347, %broadcast_in_dim3A_335], %get3A_339 : memref<50x4x8x17xf32, #tpu.memory_space<vmem>>[vector<16xi32>, vector<16xi32>, vector<16xi32>, vector<16xi32>], vector<16xf32>,
        %add3A_348 = arith.constant 0 : i32
        %add3A_349 = arith.addi %add3A_348, %scan3A_330 : i32
        %get3A_350 = arith.index_cast %add3A_349 : i32 to index
        %get3A_351 = arith.constant 16 : index
        %get3A_352 = tpu.vector_load %arg8[%get3A_350, %get3A_351] {strides = array<i32>} : memref<800x32xf32, #tpu.memory_space<vmem>>, vector<16xf32>,
        %add3A_353 = arith.constant 16 : i32
        %add3A_354 = vector.broadcast %add3A_353 : i32 to vector<16xi32>
        %add3A_355 = arith.addi %iota3A, %add3A_354 : vector<16xi32>
        %shift_right_arithmetic3A_356 = arith.constant 3 : i32
        %shift_right_arithmetic3A_357 = vector.broadcast %shift_right_arithmetic3A_356 : i32 to vector<16xi32>
        %shift_right_arithmetic3A_358 = arith.shrsi %add3A_355, %shift_right_arithmetic3A_357 : vector<16xi32>
        %and3A_359 = arith.constant 7 : i32
        %and3A_360 = vector.broadcast %and3A_359 : i32 to vector<16xi32>
        %and3A_361 = arith.andi %add3A_355, %and3A_360 : vector<16xi32>
        tpu.vector_store_idx %arg10[%add3A_333, %shift_right_arithmetic3A_358, %and3A_361, %broadcast_in_dim3A_335], %get3A_352 : memref<50x4x8x17xf32, #tpu.memory_space<vmem>>[vector<16xi32>, vector<16xi32>, vector<16xi32>, vector<16xi32>], vector<16xf32>,
        %broadcast_in_dim3A_362 = arith.constant 1 : i32
        %broadcast_in_dim3A_363 = vector.broadcast %broadcast_in_dim3A_362 : i32 to vector<16xi32>
        %add3A_364 = arith.constant 50 : i32
        %add3A_365 = arith.addi %add3A_364, %scan3A_330 : i32
        %get3A_366 = arith.index_cast %add3A_365 : i32 to index
        %get3A_367 = arith.constant 0 : index
        %get3A_368 = tpu.vector_load %arg8[%get3A_366, %get3A_367] {strides = array<i32>} : memref<800x32xf32, #tpu.memory_space<vmem>>, vector<16xf32>,
        %add3A_369 = arith.constant 0 : i32
        %add3A_370 = vector.broadcast %add3A_369 : i32 to vector<16xi32>
        %add3A_371 = arith.addi %iota3A, %add3A_370 : vector<16xi32>
        %shift_right_arithmetic3A_372 = arith.constant 3 : i32
        %shift_right_arithmetic3A_373 = vector.broadcast %shift_right_arithmetic3A_372 : i32 to vector<16xi32>
        %shift_right_arithmetic3A_374 = arith.shrsi %add3A_371, %shift_right_arithmetic3A_373 : vector<16xi32>
        %and3A_375 = arith.constant 7 : i32
        %and3A_376 = vector.broadcast %and3A_375 : i32 to vector<16xi32>
        %and3A_377 = arith.andi %add3A_371, %and3A_376 : vector<16xi32>
        tpu.vector_store_idx %arg10[%add3A_333, %shift_right_arithmetic3A_374, %and3A_377, %broadcast_in_dim3A_363], %get3A_368 : memref<50x4x8x17xf32, #tpu.memory_space<vmem>>[vector<16xi32>, vector<16xi32>, vector<16xi32>, vector<16xi32>], vector<16xf32>,
        %add3A_378 = arith.constant 50 : i32
        %add3A_379 = arith.addi %add3A_378, %scan3A_330 : i32
        %get3A_380 = arith.index_cast %add3A_379 : i32 to index
        %get3A_381 = arith.constant 16 : index
        %get3A_382 = tpu.vector_load %arg8[%get3A_380, %get3A_381] {strides = array<i32>} : memref<800x32xf32, #tpu.memory_space<vmem>>, vector<16xf32>,
        %add3A_383 = arith.constant 16 : i32
        %add3A_384 = vector.broadcast %add3A_383 : i32 to vector<16xi32>
        %add3A_385 = arith.addi %iota3A, %add3A_384 : vector<16xi32>
        %shift_right_arithmetic3A_386 = arith.constant 3 : i32
        %shift_right_arithmetic3A_387 = vector.broadcast %shift_right_arithmetic3A_386 : i32 to vector<16xi32>
        %shift_right_arithmetic3A_388 = arith.shrsi %add3A_385, %shift_right_arithmetic3A_387 : vector<16xi32>
        %and3A_389 = arith.constant 7 : i32
        %and3A_390 = vector.broadcast %and3A_389 : i32 to vector<16xi32>
        %and3A_391 = arith.andi %add3A_385, %and3A_390 : vector<16xi32>
        tpu.vector_store_idx %arg10[%add3A_333, %shift_right_arithmetic3A_388, %and3A_391, %broadcast_in_dim3A_363], %get3A_382 : memref<50x4x8x17xf32, #tpu.memory_space<vmem>>[vector<16xi32>, vector<16xi32>, vector<16xi32>, vector<16xi32>], vector<16xf32>,
        %broadcast_in_dim3A_392 = arith.constant 2 : i32
        %broadcast_in_dim3A_393 = vector.broadcast %broadcast_in_dim3A_392 : i32 to vector<16xi32>
        %add3A_394 = arith.constant 100 : i32
        %add3A_395 = arith.addi %add3A_394, %scan3A_330 : i32
        %get3A_396 = arith.index_cast %add3A_395 : i32 to index
        %get3A_397 = arith.constant 0 : index
        %get3A_398 = tpu.vector_load %arg8[%get3A_396, %get3A_397] {strides = array<i32>} : memref<800x32xf32, #tpu.memory_space<vmem>>, vector<16xf32>,
        %add3A_399 = arith.constant 0 : i32
        %add3A_400 = vector.broadcast %add3A_399 : i32 to vector<16xi32>
        %add3A_401 = arith.addi %iota3A, %add3A_400 : vector<16xi32>
        %shift_right_arithmetic3A_402 = arith.constant 3 : i32
        %shift_right_arithmetic3A_403 = vector.broadcast %shift_right_arithmetic3A_402 : i32 to vector<16xi32>
        %shift_right_arithmetic3A_404 = arith.shrsi %add3A_401, %shift_right_arithmetic3A_403 : vector<16xi32>
        %and3A_405 = arith.constant 7 : i32
        %and3A_406 = vector.broadcast %and3A_405 : i32 to vector<16xi32>
        %and3A_407 = arith.andi %add3A_401, %and3A_406 : vector<16xi32>
        tpu.vector_store_idx %arg10[%add3A_333, %shift_right_arithmetic3A_404, %and3A_407, %broadcast_in_dim3A_393], %get3A_398 : memref<50x4x8x17xf32, #tpu.memory_space<vmem>>[vector<16xi32>, vector<16xi32>, vector<16xi32>, vector<16xi32>], vector<16xf32>,
        %add3A_408 = arith.constant 100 : i32
        %add3A_409 = arith.addi %add3A_408, %scan3A_330 : i32
        %get3A_410 = arith.index_cast %add3A_409 : i32 to index
        %get3A_411 = arith.constant 16 : index
        %get3A_412 = tpu.vector_load %arg8[%get3A_410, %get3A_411] {strides = array<i32>} : memref<800x32xf32, #tpu.memory_space<vmem>>, vector<16xf32>,
        %add3A_413 = arith.constant 16 : i32
        %add3A_414 = vector.broadcast %add3A_413 : i32 to vector<16xi32>
        %add3A_415 = arith.addi %iota3A, %add3A_414 : vector<16xi32>
        %shift_right_arithmetic3A_416 = arith.constant 3 : i32
        %shift_right_arithmetic3A_417 = vector.broadcast %shift_right_arithmetic3A_416 : i32 to vector<16xi32>
        %shift_right_arithmetic3A_418 = arith.shrsi %add3A_415, %shift_right_arithmetic3A_417 : vector<16xi32>
        %and3A_419 = arith.constant 7 : i32
        %and3A_420 = vector.broadcast %and3A_419 : i32 to vector<16xi32>
        %and3A_421 = arith.andi %add3A_415, %and3A_420 : vector<16xi32>
        tpu.vector_store_idx %arg10[%add3A_333, %shift_right_arithmetic3A_418, %and3A_421, %broadcast_in_dim3A_393], %get3A_412 : memref<50x4x8x17xf32, #tpu.memory_space<vmem>>[vector<16xi32>, vector<16xi32>, vector<16xi32>, vector<16xi32>], vector<16xf32>,
        %broadcast_in_dim3A_422 = arith.constant 3 : i32
        %broadcast_in_dim3A_423 = vector.broadcast %broadcast_in_dim3A_422 : i32 to vector<16xi32>
        %add3A_424 = arith.constant 150 : i32
        %add3A_425 = arith.addi %add3A_424, %scan3A_330 : i32
        %get3A_426 = arith.index_cast %add3A_425 : i32 to index
        %get3A_427 = arith.constant 0 : index
        %get3A_428 = tpu.vector_load %arg8[%get3A_426, %get3A_427] {strides = array<i32>} : memref<800x32xf32, #tpu.memory_space<vmem>>, vector<16xf32>,
        %add3A_429 = arith.constant 0 : i32
        %add3A_430 = vector.broadcast %add3A_429 : i32 to vector<16xi32>
        %add3A_431 = arith.addi %iota3A, %add3A_430 : vector<16xi32>
        %shift_right_arithmetic3A_432 = arith.constant 3 : i32
        %shift_right_arithmetic3A_433 = vector.broadcast %shift_right_arithmetic3A_432 : i32 to vector<16xi32>
        %shift_right_arithmetic3A_434 = arith.shrsi %add3A_431, %shift_right_arithmetic3A_433 : vector<16xi32>
        %and3A_435 = arith.constant 7 : i32
        %and3A_436 = vector.broadcast %and3A_435 : i32 to vector<16xi32>
        %and3A_437 = arith.andi %add3A_431, %and3A_436 : vector<16xi32>
        tpu.vector_store_idx %arg10[%add3A_333, %shift_right_arithmetic3A_434, %and3A_437, %broadcast_in_dim3A_423], %get3A_428 : memref<50x4x8x17xf32, #tpu.memory_space<vmem>>[vector<16xi32>, vector<16xi32>, vector<16xi32>, vector<16xi32>], vector<16xf32>,
        %add3A_438 = arith.constant 150 : i32
        %add3A_439 = arith.addi %add3A_438, %scan3A_330 : i32
        %get3A_440 = arith.index_cast %add3A_439 : i32 to index
        %get3A_441 = arith.constant 16 : index
        %get3A_442 = tpu.vector_load %arg8[%get3A_440, %get3A_441] {strides = array<i32>} : memref<800x32xf32, #tpu.memory_space<vmem>>, vector<16xf32>,
        %add3A_443 = arith.constant 16 : i32
        %add3A_444 = vector.broadcast %add3A_443 : i32 to vector<16xi32>
        %add3A_445 = arith.addi %iota3A, %add3A_444 : vector<16xi32>
        %shift_right_arithmetic3A_446 = arith.constant 3 : i32
        %shift_right_arithmetic3A_447 = vector.broadcast %shift_right_arithmetic3A_446 : i32 to vector<16xi32>
        %shift_right_arithmetic3A_448 = arith.shrsi %add3A_445, %shift_right_arithmetic3A_447 : vector<16xi32>
        %and3A_449 = arith.constant 7 : i32
        %and3A_450 = vector.broadcast %and3A_449 : i32 to vector<16xi32>
        %and3A_451 = arith.andi %add3A_445, %and3A_450 : vector<16xi32>
        tpu.vector_store_idx %arg10[%add3A_333, %shift_right_arithmetic3A_448, %and3A_451, %broadcast_in_dim3A_423], %get3A_442 : memref<50x4x8x17xf32, #tpu.memory_space<vmem>>[vector<16xi32>, vector<16xi32>, vector<16xi32>, vector<16xi32>], vector<16xf32>,
        %broadcast_in_dim3A_452 = arith.constant 4 : i32
        %broadcast_in_dim3A_453 = vector.broadcast %broadcast_in_dim3A_452 : i32 to vector<16xi32>
        %add3A_454 = arith.constant 200 : i32
        %add3A_455 = arith.addi %add3A_454, %scan3A_330 : i32
        %get3A_456 = arith.index_cast %add3A_455 : i32 to index
        %get3A_457 = arith.constant 0 : index
        %get3A_458 = tpu.vector_load %arg8[%get3A_456, %get3A_457] {strides = array<i32>} : memref<800x32xf32, #tpu.memory_space<vmem>>, vector<16xf32>,
        %add3A_459 = arith.constant 0 : i32
        %add3A_460 = vector.broadcast %add3A_459 : i32 to vector<16xi32>
        %add3A_461 = arith.addi %iota3A, %add3A_460 : vector<16xi32>
        %shift_right_arithmetic3A_462 = arith.constant 3 : i32
        %shift_right_arithmetic3A_463 = vector.broadcast %shift_right_arithmetic3A_462 : i32 to vector<16xi32>
        %shift_right_arithmetic3A_464 = arith.shrsi %add3A_461, %shift_right_arithmetic3A_463 : vector<16xi32>
        %and3A_465 = arith.constant 7 : i32
        %and3A_466 = vector.broadcast %and3A_465 : i32 to vector<16xi32>
        %and3A_467 = arith.andi %add3A_461, %and3A_466 : vector<16xi32>
        tpu.vector_store_idx %arg10[%add3A_333, %shift_right_arithmetic3A_464, %and3A_467, %broadcast_in_dim3A_453], %get3A_458 : memref<50x4x8x17xf32, #tpu.memory_space<vmem>>[vector<16xi32>, vector<16xi32>, vector<16xi32>, vector<16xi32>], vector<16xf32>,
        %add3A_468 = arith.constant 200 : i32
        %add3A_469 = arith.addi %add3A_468, %scan3A_330 : i32
        %get3A_470 = arith.index_cast %add3A_469 : i32 to index
        %get3A_471 = arith.constant 16 : index
        %get3A_472 = tpu.vector_load %arg8[%get3A_470, %get3A_471] {strides = array<i32>} : memref<800x32xf32, #tpu.memory_space<vmem>>, vector<16xf32>,
        %add3A_473 = arith.constant 16 : i32
        %add3A_474 = vector.broadcast %add3A_473 : i32 to vector<16xi32>
        %add3A_475 = arith.addi %iota3A, %add3A_474 : vector<16xi32>
        %shift_right_arithmetic3A_476 = arith.constant 3 : i32
        %shift_right_arithmetic3A_477 = vector.broadcast %shift_right_arithmetic3A_476 : i32 to vector<16xi32>
        %shift_right_arithmetic3A_478 = arith.shrsi %add3A_475, %shift_right_arithmetic3A_477 : vector<16xi32>
        %and3A_479 = arith.constant 7 : i32
        %and3A_480 = vector.broadcast %and3A_479 : i32 to vector<16xi32>
        %and3A_481 = arith.andi %add3A_475, %and3A_480 : vector<16xi32>
        tpu.vector_store_idx %arg10[%add3A_333, %shift_right_arithmetic3A_478, %and3A_481, %broadcast_in_dim3A_453], %get3A_472 : memref<50x4x8x17xf32, #tpu.memory_space<vmem>>[vector<16xi32>, vector<16xi32>, vector<16xi32>, vector<16xi32>], vector<16xf32>,
        %broadcast_in_dim3A_482 = arith.constant 5 : i32
        %broadcast_in_dim3A_483 = vector.broadcast %broadcast_in_dim3A_482 : i32 to vector<16xi32>
        %add3A_484 = arith.constant 250 : i32
        %add3A_485 = arith.addi %add3A_484, %scan3A_330 : i32
        %get3A_486 = arith.index_cast %add3A_485 : i32 to index
        %get3A_487 = arith.constant 0 : index
        %get3A_488 = tpu.vector_load %arg8[%get3A_486, %get3A_487] {strides = array<i32>} : memref<800x32xf32, #tpu.memory_space<vmem>>, vector<16xf32>,
        %add3A_489 = arith.constant 0 : i32
        %add3A_490 = vector.broadcast %add3A_489 : i32 to vector<16xi32>
        %add3A_491 = arith.addi %iota3A, %add3A_490 : vector<16xi32>
        %shift_right_arithmetic3A_492 = arith.constant 3 : i32
        %shift_right_arithmetic3A_493 = vector.broadcast %shift_right_arithmetic3A_492 : i32 to vector<16xi32>
        %shift_right_arithmetic3A_494 = arith.shrsi %add3A_491, %shift_right_arithmetic3A_493 : vector<16xi32>
        %and3A_495 = arith.constant 7 : i32
        %and3A_496 = vector.broadcast %and3A_495 : i32 to vector<16xi32>
        %and3A_497 = arith.andi %add3A_491, %and3A_496 : vector<16xi32>
        tpu.vector_store_idx %arg10[%add3A_333, %shift_right_arithmetic3A_494, %and3A_497, %broadcast_in_dim3A_483], %get3A_488 : memref<50x4x8x17xf32, #tpu.memory_space<vmem>>[vector<16xi32>, vector<16xi32>, vector<16xi32>, vector<16xi32>], vector<16xf32>,
        %add3A_498 = arith.constant 250 : i32
        %add3A_499 = arith.addi %add3A_498, %scan3A_330 : i32
        %get3A_500 = arith.index_cast %add3A_499 : i32 to index
        %get3A_501 = arith.constant 16 : index
        %get3A_502 = tpu.vector_load %arg8[%get3A_500, %get3A_501] {strides = array<i32>} : memref<800x32xf32, #tpu.memory_space<vmem>>, vector<16xf32>,
        %add3A_503 = arith.constant 16 : i32
        %add3A_504 = vector.broadcast %add3A_503 : i32 to vector<16xi32>
        %add3A_505 = arith.addi %iota3A, %add3A_504 : vector<16xi32>
        %shift_right_arithmetic3A_506 = arith.constant 3 : i32
        %shift_right_arithmetic3A_507 = vector.broadcast %shift_right_arithmetic3A_506 : i32 to vector<16xi32>
        %shift_right_arithmetic3A_508 = arith.shrsi %add3A_505, %shift_right_arithmetic3A_507 : vector<16xi32>
        %and3A_509 = arith.constant 7 : i32
        %and3A_510 = vector.broadcast %and3A_509 : i32 to vector<16xi32>
        %and3A_511 = arith.andi %add3A_505, %and3A_510 : vector<16xi32>
        tpu.vector_store_idx %arg10[%add3A_333, %shift_right_arithmetic3A_508, %and3A_511, %broadcast_in_dim3A_483], %get3A_502 : memref<50x4x8x17xf32, #tpu.memory_space<vmem>>[vector<16xi32>, vector<16xi32>, vector<16xi32>, vector<16xi32>], vector<16xf32>,
        %broadcast_in_dim3A_512 = arith.constant 6 : i32
        %broadcast_in_dim3A_513 = vector.broadcast %broadcast_in_dim3A_512 : i32 to vector<16xi32>
        %add3A_514 = arith.constant 300 : i32
        %add3A_515 = arith.addi %add3A_514, %scan3A_330 : i32
        %get3A_516 = arith.index_cast %add3A_515 : i32 to index
        %get3A_517 = arith.constant 0 : index
        %get3A_518 = tpu.vector_load %arg8[%get3A_516, %get3A_517] {strides = array<i32>} : memref<800x32xf32, #tpu.memory_space<vmem>>, vector<16xf32>,
        %add3A_519 = arith.constant 0 : i32
        %add3A_520 = vector.broadcast %add3A_519 : i32 to vector<16xi32>
        %add3A_521 = arith.addi %iota3A, %add3A_520 : vector<16xi32>
        %shift_right_arithmetic3A_522 = arith.constant 3 : i32
        %shift_right_arithmetic3A_523 = vector.broadcast %shift_right_arithmetic3A_522 : i32 to vector<16xi32>
        %shift_right_arithmetic3A_524 = arith.shrsi %add3A_521, %shift_right_arithmetic3A_523 : vector<16xi32>
        %and3A_525 = arith.constant 7 : i32
        %and3A_526 = vector.broadcast %and3A_525 : i32 to vector<16xi32>
        %and3A_527 = arith.andi %add3A_521, %and3A_526 : vector<16xi32>
        tpu.vector_store_idx %arg10[%add3A_333, %shift_right_arithmetic3A_524, %and3A_527, %broadcast_in_dim3A_513], %get3A_518 : memref<50x4x8x17xf32, #tpu.memory_space<vmem>>[vector<16xi32>, vector<16xi32>, vector<16xi32>, vector<16xi32>], vector<16xf32>,
        %add3A_528 = arith.constant 300 : i32
        %add3A_529 = arith.addi %add3A_528, %scan3A_330 : i32
        %get3A_530 = arith.index_cast %add3A_529 : i32 to index
        %get3A_531 = arith.constant 16 : index
        %get3A_532 = tpu.vector_load %arg8[%get3A_530, %get3A_531] {strides = array<i32>} : memref<800x32xf32, #tpu.memory_space<vmem>>, vector<16xf32>,
        %add3A_533 = arith.constant 16 : i32
        %add3A_534 = vector.broadcast %add3A_533 : i32 to vector<16xi32>
        %add3A_535 = arith.addi %iota3A, %add3A_534 : vector<16xi32>
        %shift_right_arithmetic3A_536 = arith.constant 3 : i32
        %shift_right_arithmetic3A_537 = vector.broadcast %shift_right_arithmetic3A_536 : i32 to vector<16xi32>
        %shift_right_arithmetic3A_538 = arith.shrsi %add3A_535, %shift_right_arithmetic3A_537 : vector<16xi32>
        %and3A_539 = arith.constant 7 : i32
        %and3A_540 = vector.broadcast %and3A_539 : i32 to vector<16xi32>
        %and3A_541 = arith.andi %add3A_535, %and3A_540 : vector<16xi32>
        tpu.vector_store_idx %arg10[%add3A_333, %shift_right_arithmetic3A_538, %and3A_541, %broadcast_in_dim3A_513], %get3A_532 : memref<50x4x8x17xf32, #tpu.memory_space<vmem>>[vector<16xi32>, vector<16xi32>, vector<16xi32>, vector<16xi32>], vector<16xf32>,
        %broadcast_in_dim3A_542 = arith.constant 7 : i32
        %broadcast_in_dim3A_543 = vector.broadcast %broadcast_in_dim3A_542 : i32 to vector<16xi32>
        %add3A_544 = arith.constant 350 : i32
        %add3A_545 = arith.addi %add3A_544, %scan3A_330 : i32
        %get3A_546 = arith.index_cast %add3A_545 : i32 to index
        %get3A_547 = arith.constant 0 : index
        %get3A_548 = tpu.vector_load %arg8[%get3A_546, %get3A_547] {strides = array<i32>} : memref<800x32xf32, #tpu.memory_space<vmem>>, vector<16xf32>,
        %add3A_549 = arith.constant 0 : i32
        %add3A_550 = vector.broadcast %add3A_549 : i32 to vector<16xi32>
        %add3A_551 = arith.addi %iota3A, %add3A_550 : vector<16xi32>
        %shift_right_arithmetic3A_552 = arith.constant 3 : i32
        %shift_right_arithmetic3A_553 = vector.broadcast %shift_right_arithmetic3A_552 : i32 to vector<16xi32>
        %shift_right_arithmetic3A_554 = arith.shrsi %add3A_551, %shift_right_arithmetic3A_553 : vector<16xi32>
        %and3A_555 = arith.constant 7 : i32
        %and3A_556 = vector.broadcast %and3A_555 : i32 to vector<16xi32>
        %and3A_557 = arith.andi %add3A_551, %and3A_556 : vector<16xi32>
        tpu.vector_store_idx %arg10[%add3A_333, %shift_right_arithmetic3A_554, %and3A_557, %broadcast_in_dim3A_543], %get3A_548 : memref<50x4x8x17xf32, #tpu.memory_space<vmem>>[vector<16xi32>, vector<16xi32>, vector<16xi32>, vector<16xi32>], vector<16xf32>,
        %add3A_558 = arith.constant 350 : i32
        %add3A_559 = arith.addi %add3A_558, %scan3A_330 : i32
        %get3A_560 = arith.index_cast %add3A_559 : i32 to index
        %get3A_561 = arith.constant 16 : index
        %get3A_562 = tpu.vector_load %arg8[%get3A_560, %get3A_561] {strides = array<i32>} : memref<800x32xf32, #tpu.memory_space<vmem>>, vector<16xf32>,
        %add3A_563 = arith.constant 16 : i32
        %add3A_564 = vector.broadcast %add3A_563 : i32 to vector<16xi32>
        %add3A_565 = arith.addi %iota3A, %add3A_564 : vector<16xi32>
        %shift_right_arithmetic3A_566 = arith.constant 3 : i32
        %shift_right_arithmetic3A_567 = vector.broadcast %shift_right_arithmetic3A_566 : i32 to vector<16xi32>
        %shift_right_arithmetic3A_568 = arith.shrsi %add3A_565, %shift_right_arithmetic3A_567 : vector<16xi32>
        %and3A_569 = arith.constant 7 : i32
        %and3A_570 = vector.broadcast %and3A_569 : i32 to vector<16xi32>
        %and3A_571 = arith.andi %add3A_565, %and3A_570 : vector<16xi32>
        tpu.vector_store_idx %arg10[%add3A_333, %shift_right_arithmetic3A_568, %and3A_571, %broadcast_in_dim3A_543], %get3A_562 : memref<50x4x8x17xf32, #tpu.memory_space<vmem>>[vector<16xi32>, vector<16xi32>, vector<16xi32>, vector<16xi32>], vector<16xf32>,
        %broadcast_in_dim3A_572 = arith.constant 8 : i32
        %broadcast_in_dim3A_573 = vector.broadcast %broadcast_in_dim3A_572 : i32 to vector<16xi32>
        %add3A_574 = arith.constant 400 : i32
        %add3A_575 = arith.addi %add3A_574, %scan3A_330 : i32
        %get3A_576 = arith.index_cast %add3A_575 : i32 to index
        %get3A_577 = arith.constant 0 : index
        %get3A_578 = tpu.vector_load %arg8[%get3A_576, %get3A_577] {strides = array<i32>} : memref<800x32xf32, #tpu.memory_space<vmem>>, vector<16xf32>,
        %add3A_579 = arith.constant 0 : i32
        %add3A_580 = vector.broadcast %add3A_579 : i32 to vector<16xi32>
        %add3A_581 = arith.addi %iota3A, %add3A_580 : vector<16xi32>
        %shift_right_arithmetic3A_582 = arith.constant 3 : i32
        %shift_right_arithmetic3A_583 = vector.broadcast %shift_right_arithmetic3A_582 : i32 to vector<16xi32>
        %shift_right_arithmetic3A_584 = arith.shrsi %add3A_581, %shift_right_arithmetic3A_583 : vector<16xi32>
        %and3A_585 = arith.constant 7 : i32
        %and3A_586 = vector.broadcast %and3A_585 : i32 to vector<16xi32>
        %and3A_587 = arith.andi %add3A_581, %and3A_586 : vector<16xi32>
        tpu.vector_store_idx %arg10[%add3A_333, %shift_right_arithmetic3A_584, %and3A_587, %broadcast_in_dim3A_573], %get3A_578 : memref<50x4x8x17xf32, #tpu.memory_space<vmem>>[vector<16xi32>, vector<16xi32>, vector<16xi32>, vector<16xi32>], vector<16xf32>,
        %add3A_588 = arith.constant 400 : i32
        %add3A_589 = arith.addi %add3A_588, %scan3A_330 : i32
        %get3A_590 = arith.index_cast %add3A_589 : i32 to index
        %get3A_591 = arith.constant 16 : index
        %get3A_592 = tpu.vector_load %arg8[%get3A_590, %get3A_591] {strides = array<i32>} : memref<800x32xf32, #tpu.memory_space<vmem>>, vector<16xf32>,
        %add3A_593 = arith.constant 16 : i32
        %add3A_594 = vector.broadcast %add3A_593 : i32 to vector<16xi32>
        %add3A_595 = arith.addi %iota3A, %add3A_594 : vector<16xi32>
        %shift_right_arithmetic3A_596 = arith.constant 3 : i32
        %shift_right_arithmetic3A_597 = vector.broadcast %shift_right_arithmetic3A_596 : i32 to vector<16xi32>
        %shift_right_arithmetic3A_598 = arith.shrsi %add3A_595, %shift_right_arithmetic3A_597 : vector<16xi32>
        %and3A_599 = arith.constant 7 : i32
        %and3A_600 = vector.broadcast %and3A_599 : i32 to vector<16xi32>
        %and3A_601 = arith.andi %add3A_595, %and3A_600 : vector<16xi32>
        tpu.vector_store_idx %arg10[%add3A_333, %shift_right_arithmetic3A_598, %and3A_601, %broadcast_in_dim3A_573], %get3A_592 : memref<50x4x8x17xf32, #tpu.memory_space<vmem>>[vector<16xi32>, vector<16xi32>, vector<16xi32>, vector<16xi32>], vector<16xf32>,
        %broadcast_in_dim3A_602 = arith.constant 9 : i32
        %broadcast_in_dim3A_603 = vector.broadcast %broadcast_in_dim3A_602 : i32 to vector<16xi32>
        %add3A_604 = arith.constant 450 : i32
        %add3A_605 = arith.addi %add3A_604, %scan3A_330 : i32
        %get3A_606 = arith.index_cast %add3A_605 : i32 to index
        %get3A_607 = arith.constant 0 : index
        %get3A_608 = tpu.vector_load %arg8[%get3A_606, %get3A_607] {strides = array<i32>} : memref<800x32xf32, #tpu.memory_space<vmem>>, vector<16xf32>,
        %add3A_609 = arith.constant 0 : i32
        %add3A_610 = vector.broadcast %add3A_609 : i32 to vector<16xi32>
        %add3A_611 = arith.addi %iota3A, %add3A_610 : vector<16xi32>
        %shift_right_arithmetic3A_612 = arith.constant 3 : i32
        %shift_right_arithmetic3A_613 = vector.broadcast %shift_right_arithmetic3A_612 : i32 to vector<16xi32>
        %shift_right_arithmetic3A_614 = arith.shrsi %add3A_611, %shift_right_arithmetic3A_613 : vector<16xi32>
        %and3A_615 = arith.constant 7 : i32
        %and3A_616 = vector.broadcast %and3A_615 : i32 to vector<16xi32>
        %and3A_617 = arith.andi %add3A_611, %and3A_616 : vector<16xi32>
        tpu.vector_store_idx %arg10[%add3A_333, %shift_right_arithmetic3A_614, %and3A_617, %broadcast_in_dim3A_603], %get3A_608 : memref<50x4x8x17xf32, #tpu.memory_space<vmem>>[vector<16xi32>, vector<16xi32>, vector<16xi32>, vector<16xi32>], vector<16xf32>,
        %add3A_618 = arith.constant 450 : i32
        %add3A_619 = arith.addi %add3A_618, %scan3A_330 : i32
        %get3A_620 = arith.index_cast %add3A_619 : i32 to index
        %get3A_621 = arith.constant 16 : index
        %get3A_622 = tpu.vector_load %arg8[%get3A_620, %get3A_621] {strides = array<i32>} : memref<800x32xf32, #tpu.memory_space<vmem>>, vector<16xf32>,
        %add3A_623 = arith.constant 16 : i32
        %add3A_624 = vector.broadcast %add3A_623 : i32 to vector<16xi32>
        %add3A_625 = arith.addi %iota3A, %add3A_624 : vector<16xi32>
        %shift_right_arithmetic3A_626 = arith.constant 3 : i32
        %shift_right_arithmetic3A_627 = vector.broadcast %shift_right_arithmetic3A_626 : i32 to vector<16xi32>
        %shift_right_arithmetic3A_628 = arith.shrsi %add3A_625, %shift_right_arithmetic3A_627 : vector<16xi32>
        %and3A_629 = arith.constant 7 : i32
        %and3A_630 = vector.broadcast %and3A_629 : i32 to vector<16xi32>
        %and3A_631 = arith.andi %add3A_625, %and3A_630 : vector<16xi32>
        tpu.vector_store_idx %arg10[%add3A_333, %shift_right_arithmetic3A_628, %and3A_631, %broadcast_in_dim3A_603], %get3A_622 : memref<50x4x8x17xf32, #tpu.memory_space<vmem>>[vector<16xi32>, vector<16xi32>, vector<16xi32>, vector<16xi32>], vector<16xf32>,
        %broadcast_in_dim3A_632 = arith.constant 10 : i32
        %broadcast_in_dim3A_633 = vector.broadcast %broadcast_in_dim3A_632 : i32 to vector<16xi32>
        %add3A_634 = arith.constant 500 : i32
        %add3A_635 = arith.addi %add3A_634, %scan3A_330 : i32
        %get3A_636 = arith.index_cast %add3A_635 : i32 to index
        %get3A_637 = arith.constant 0 : index
        %get3A_638 = tpu.vector_load %arg8[%get3A_636, %get3A_637] {strides = array<i32>} : memref<800x32xf32, #tpu.memory_space<vmem>>, vector<16xf32>,
        %add3A_639 = arith.constant 0 : i32
        %add3A_640 = vector.broadcast %add3A_639 : i32 to vector<16xi32>
        %add3A_641 = arith.addi %iota3A, %add3A_640 : vector<16xi32>
        %shift_right_arithmetic3A_642 = arith.constant 3 : i32
        %shift_right_arithmetic3A_643 = vector.broadcast %shift_right_arithmetic3A_642 : i32 to vector<16xi32>
        %shift_right_arithmetic3A_644 = arith.shrsi %add3A_641, %shift_right_arithmetic3A_643 : vector<16xi32>
        %and3A_645 = arith.constant 7 : i32
        %and3A_646 = vector.broadcast %and3A_645 : i32 to vector<16xi32>
        %and3A_647 = arith.andi %add3A_641, %and3A_646 : vector<16xi32>
        tpu.vector_store_idx %arg10[%add3A_333, %shift_right_arithmetic3A_644, %and3A_647, %broadcast_in_dim3A_633], %get3A_638 : memref<50x4x8x17xf32, #tpu.memory_space<vmem>>[vector<16xi32>, vector<16xi32>, vector<16xi32>, vector<16xi32>], vector<16xf32>,
        %add3A_648 = arith.constant 500 : i32
        %add3A_649 = arith.addi %add3A_648, %scan3A_330 : i32
        %get3A_650 = arith.index_cast %add3A_649 : i32 to index
        %get3A_651 = arith.constant 16 : index
        %get3A_652 = tpu.vector_load %arg8[%get3A_650, %get3A_651] {strides = array<i32>} : memref<800x32xf32, #tpu.memory_space<vmem>>, vector<16xf32>,
        %add3A_653 = arith.constant 16 : i32
        %add3A_654 = vector.broadcast %add3A_653 : i32 to vector<16xi32>
        %add3A_655 = arith.addi %iota3A, %add3A_654 : vector<16xi32>
        %shift_right_arithmetic3A_656 = arith.constant 3 : i32
        %shift_right_arithmetic3A_657 = vector.broadcast %shift_right_arithmetic3A_656 : i32 to vector<16xi32>
        %shift_right_arithmetic3A_658 = arith.shrsi %add3A_655, %shift_right_arithmetic3A_657 : vector<16xi32>
        %and3A_659 = arith.constant 7 : i32
        %and3A_660 = vector.broadcast %and3A_659 : i32 to vector<16xi32>
        %and3A_661 = arith.andi %add3A_655, %and3A_660 : vector<16xi32>
        tpu.vector_store_idx %arg10[%add3A_333, %shift_right_arithmetic3A_658, %and3A_661, %broadcast_in_dim3A_633], %get3A_652 : memref<50x4x8x17xf32, #tpu.memory_space<vmem>>[vector<16xi32>, vector<16xi32>, vector<16xi32>, vector<16xi32>], vector<16xf32>,
        %broadcast_in_dim3A_662 = arith.constant 11 : i32
        %broadcast_in_dim3A_663 = vector.broadcast %broadcast_in_dim3A_662 : i32 to vector<16xi32>
        %add3A_664 = arith.constant 550 : i32
        %add3A_665 = arith.addi %add3A_664, %scan3A_330 : i32
        %get3A_666 = arith.index_cast %add3A_665 : i32 to index
        %get3A_667 = arith.constant 0 : index
        %get3A_668 = tpu.vector_load %arg8[%get3A_666, %get3A_667] {strides = array<i32>} : memref<800x32xf32, #tpu.memory_space<vmem>>, vector<16xf32>,
        %add3A_669 = arith.constant 0 : i32
        %add3A_670 = vector.broadcast %add3A_669 : i32 to vector<16xi32>
        %add3A_671 = arith.addi %iota3A, %add3A_670 : vector<16xi32>
        %shift_right_arithmetic3A_672 = arith.constant 3 : i32
        %shift_right_arithmetic3A_673 = vector.broadcast %shift_right_arithmetic3A_672 : i32 to vector<16xi32>
        %shift_right_arithmetic3A_674 = arith.shrsi %add3A_671, %shift_right_arithmetic3A_673 : vector<16xi32>
        %and3A_675 = arith.constant 7 : i32
        %and3A_676 = vector.broadcast %and3A_675 : i32 to vector<16xi32>
        %and3A_677 = arith.andi %add3A_671, %and3A_676 : vector<16xi32>
        tpu.vector_store_idx %arg10[%add3A_333, %shift_right_arithmetic3A_674, %and3A_677, %broadcast_in_dim3A_663], %get3A_668 : memref<50x4x8x17xf32, #tpu.memory_space<vmem>>[vector<16xi32>, vector<16xi32>, vector<16xi32>, vector<16xi32>], vector<16xf32>,
        %add3A_678 = arith.constant 550 : i32
        %add3A_679 = arith.addi %add3A_678, %scan3A_330 : i32
        %get3A_680 = arith.index_cast %add3A_679 : i32 to index
        %get3A_681 = arith.constant 16 : index
        %get3A_682 = tpu.vector_load %arg8[%get3A_680, %get3A_681] {strides = array<i32>} : memref<800x32xf32, #tpu.memory_space<vmem>>, vector<16xf32>,
        %add3A_683 = arith.constant 16 : i32
        %add3A_684 = vector.broadcast %add3A_683 : i32 to vector<16xi32>
        %add3A_685 = arith.addi %iota3A, %add3A_684 : vector<16xi32>
        %shift_right_arithmetic3A_686 = arith.constant 3 : i32
        %shift_right_arithmetic3A_687 = vector.broadcast %shift_right_arithmetic3A_686 : i32 to vector<16xi32>
        %shift_right_arithmetic3A_688 = arith.shrsi %add3A_685, %shift_right_arithmetic3A_687 : vector<16xi32>
        %and3A_689 = arith.constant 7 : i32
        %and3A_690 = vector.broadcast %and3A_689 : i32 to vector<16xi32>
        %and3A_691 = arith.andi %add3A_685, %and3A_690 : vector<16xi32>
        tpu.vector_store_idx %arg10[%add3A_333, %shift_right_arithmetic3A_688, %and3A_691, %broadcast_in_dim3A_663], %get3A_682 : memref<50x4x8x17xf32, #tpu.memory_space<vmem>>[vector<16xi32>, vector<16xi32>, vector<16xi32>, vector<16xi32>], vector<16xf32>,
        %broadcast_in_dim3A_692 = arith.constant 12 : i32
        %broadcast_in_dim3A_693 = vector.broadcast %broadcast_in_dim3A_692 : i32 to vector<16xi32>
        %add3A_694 = arith.constant 600 : i32
        %add3A_695 = arith.addi %add3A_694, %scan3A_330 : i32
        %get3A_696 = arith.index_cast %add3A_695 : i32 to index
        %get3A_697 = arith.constant 0 : index
        %get3A_698 = tpu.vector_load %arg8[%get3A_696, %get3A_697] {strides = array<i32>} : memref<800x32xf32, #tpu.memory_space<vmem>>, vector<16xf32>,
        %add3A_699 = arith.constant 0 : i32
        %add3A_700 = vector.broadcast %add3A_699 : i32 to vector<16xi32>
        %add3A_701 = arith.addi %iota3A, %add3A_700 : vector<16xi32>
        %shift_right_arithmetic3A_702 = arith.constant 3 : i32
        %shift_right_arithmetic3A_703 = vector.broadcast %shift_right_arithmetic3A_702 : i32 to vector<16xi32>
        %shift_right_arithmetic3A_704 = arith.shrsi %add3A_701, %shift_right_arithmetic3A_703 : vector<16xi32>
        %and3A_705 = arith.constant 7 : i32
        %and3A_706 = vector.broadcast %and3A_705 : i32 to vector<16xi32>
        %and3A_707 = arith.andi %add3A_701, %and3A_706 : vector<16xi32>
        tpu.vector_store_idx %arg10[%add3A_333, %shift_right_arithmetic3A_704, %and3A_707, %broadcast_in_dim3A_693], %get3A_698 : memref<50x4x8x17xf32, #tpu.memory_space<vmem>>[vector<16xi32>, vector<16xi32>, vector<16xi32>, vector<16xi32>], vector<16xf32>,
        %add3A_708 = arith.constant 600 : i32
        %add3A_709 = arith.addi %add3A_708, %scan3A_330 : i32
        %get3A_710 = arith.index_cast %add3A_709 : i32 to index
        %get3A_711 = arith.constant 16 : index
        %get3A_712 = tpu.vector_load %arg8[%get3A_710, %get3A_711] {strides = array<i32>} : memref<800x32xf32, #tpu.memory_space<vmem>>, vector<16xf32>,
        %add3A_713 = arith.constant 16 : i32
        %add3A_714 = vector.broadcast %add3A_713 : i32 to vector<16xi32>
        %add3A_715 = arith.addi %iota3A, %add3A_714 : vector<16xi32>
        %shift_right_arithmetic3A_716 = arith.constant 3 : i32
        %shift_right_arithmetic3A_717 = vector.broadcast %shift_right_arithmetic3A_716 : i32 to vector<16xi32>
        %shift_right_arithmetic3A_718 = arith.shrsi %add3A_715, %shift_right_arithmetic3A_717 : vector<16xi32>
        %and3A_719 = arith.constant 7 : i32
        %and3A_720 = vector.broadcast %and3A_719 : i32 to vector<16xi32>
        %and3A_721 = arith.andi %add3A_715, %and3A_720 : vector<16xi32>
        tpu.vector_store_idx %arg10[%add3A_333, %shift_right_arithmetic3A_718, %and3A_721, %broadcast_in_dim3A_693], %get3A_712 : memref<50x4x8x17xf32, #tpu.memory_space<vmem>>[vector<16xi32>, vector<16xi32>, vector<16xi32>, vector<16xi32>], vector<16xf32>,
        %broadcast_in_dim3A_722 = arith.constant 13 : i32
        %broadcast_in_dim3A_723 = vector.broadcast %broadcast_in_dim3A_722 : i32 to vector<16xi32>
        %add3A_724 = arith.constant 650 : i32
        %add3A_725 = arith.addi %add3A_724, %scan3A_330 : i32
        %get3A_726 = arith.index_cast %add3A_725 : i32 to index
        %get3A_727 = arith.constant 0 : index
        %get3A_728 = tpu.vector_load %arg8[%get3A_726, %get3A_727] {strides = array<i32>} : memref<800x32xf32, #tpu.memory_space<vmem>>, vector<16xf32>,
        %add3A_729 = arith.constant 0 : i32
        %add3A_730 = vector.broadcast %add3A_729 : i32 to vector<16xi32>
        %add3A_731 = arith.addi %iota3A, %add3A_730 : vector<16xi32>
        %shift_right_arithmetic3A_732 = arith.constant 3 : i32
        %shift_right_arithmetic3A_733 = vector.broadcast %shift_right_arithmetic3A_732 : i32 to vector<16xi32>
        %shift_right_arithmetic3A_734 = arith.shrsi %add3A_731, %shift_right_arithmetic3A_733 : vector<16xi32>
        %and3A_735 = arith.constant 7 : i32
        %and3A_736 = vector.broadcast %and3A_735 : i32 to vector<16xi32>
        %and3A_737 = arith.andi %add3A_731, %and3A_736 : vector<16xi32>
        tpu.vector_store_idx %arg10[%add3A_333, %shift_right_arithmetic3A_734, %and3A_737, %broadcast_in_dim3A_723], %get3A_728 : memref<50x4x8x17xf32, #tpu.memory_space<vmem>>[vector<16xi32>, vector<16xi32>, vector<16xi32>, vector<16xi32>], vector<16xf32>,
        %add3A_738 = arith.constant 650 : i32
        %add3A_739 = arith.addi %add3A_738, %scan3A_330 : i32
        %get3A_740 = arith.index_cast %add3A_739 : i32 to index
        %get3A_741 = arith.constant 16 : index
        %get3A_742 = tpu.vector_load %arg8[%get3A_740, %get3A_741] {strides = array<i32>} : memref<800x32xf32, #tpu.memory_space<vmem>>, vector<16xf32>,
        %add3A_743 = arith.constant 16 : i32
        %add3A_744 = vector.broadcast %add3A_743 : i32 to vector<16xi32>
        %add3A_745 = arith.addi %iota3A, %add3A_744 : vector<16xi32>
        %shift_right_arithmetic3A_746 = arith.constant 3 : i32
        %shift_right_arithmetic3A_747 = vector.broadcast %shift_right_arithmetic3A_746 : i32 to vector<16xi32>
        %shift_right_arithmetic3A_748 = arith.shrsi %add3A_745, %shift_right_arithmetic3A_747 : vector<16xi32>
        %and3A_749 = arith.constant 7 : i32
        %and3A_750 = vector.broadcast %and3A_749 : i32 to vector<16xi32>
        %and3A_751 = arith.andi %add3A_745, %and3A_750 : vector<16xi32>
        tpu.vector_store_idx %arg10[%add3A_333, %shift_right_arithmetic3A_748, %and3A_751, %broadcast_in_dim3A_723], %get3A_742 : memref<50x4x8x17xf32, #tpu.memory_space<vmem>>[vector<16xi32>, vector<16xi32>, vector<16xi32>, vector<16xi32>], vector<16xf32>,
        %broadcast_in_dim3A_752 = arith.constant 14 : i32
        %broadcast_in_dim3A_753 = vector.broadcast %broadcast_in_dim3A_752 : i32 to vector<16xi32>
        %add3A_754 = arith.constant 700 : i32
        %add3A_755 = arith.addi %add3A_754, %scan3A_330 : i32
        %get3A_756 = arith.index_cast %add3A_755 : i32 to index
        %get3A_757 = arith.constant 0 : index
        %get3A_758 = tpu.vector_load %arg8[%get3A_756, %get3A_757] {strides = array<i32>} : memref<800x32xf32, #tpu.memory_space<vmem>>, vector<16xf32>,
        %add3A_759 = arith.constant 0 : i32
        %add3A_760 = vector.broadcast %add3A_759 : i32 to vector<16xi32>
        %add3A_761 = arith.addi %iota3A, %add3A_760 : vector<16xi32>
        %shift_right_arithmetic3A_762 = arith.constant 3 : i32
        %shift_right_arithmetic3A_763 = vector.broadcast %shift_right_arithmetic3A_762 : i32 to vector<16xi32>
        %shift_right_arithmetic3A_764 = arith.shrsi %add3A_761, %shift_right_arithmetic3A_763 : vector<16xi32>
        %and3A_765 = arith.constant 7 : i32
        %and3A_766 = vector.broadcast %and3A_765 : i32 to vector<16xi32>
        %and3A_767 = arith.andi %add3A_761, %and3A_766 : vector<16xi32>
        tpu.vector_store_idx %arg10[%add3A_333, %shift_right_arithmetic3A_764, %and3A_767, %broadcast_in_dim3A_753], %get3A_758 : memref<50x4x8x17xf32, #tpu.memory_space<vmem>>[vector<16xi32>, vector<16xi32>, vector<16xi32>, vector<16xi32>], vector<16xf32>,
        %add3A_768 = arith.constant 700 : i32
        %add3A_769 = arith.addi %add3A_768, %scan3A_330 : i32
        %get3A_770 = arith.index_cast %add3A_769 : i32 to index
        %get3A_771 = arith.constant 16 : index
        %get3A_772 = tpu.vector_load %arg8[%get3A_770, %get3A_771] {strides = array<i32>} : memref<800x32xf32, #tpu.memory_space<vmem>>, vector<16xf32>,
        %add3A_773 = arith.constant 16 : i32
        %add3A_774 = vector.broadcast %add3A_773 : i32 to vector<16xi32>
        %add3A_775 = arith.addi %iota3A, %add3A_774 : vector<16xi32>
        %shift_right_arithmetic3A_776 = arith.constant 3 : i32
        %shift_right_arithmetic3A_777 = vector.broadcast %shift_right_arithmetic3A_776 : i32 to vector<16xi32>
        %shift_right_arithmetic3A_778 = arith.shrsi %add3A_775, %shift_right_arithmetic3A_777 : vector<16xi32>
        %and3A_779 = arith.constant 7 : i32
        %and3A_780 = vector.broadcast %and3A_779 : i32 to vector<16xi32>
        %and3A_781 = arith.andi %add3A_775, %and3A_780 : vector<16xi32>
        tpu.vector_store_idx %arg10[%add3A_333, %shift_right_arithmetic3A_778, %and3A_781, %broadcast_in_dim3A_753], %get3A_772 : memref<50x4x8x17xf32, #tpu.memory_space<vmem>>[vector<16xi32>, vector<16xi32>, vector<16xi32>, vector<16xi32>], vector<16xf32>,
        %broadcast_in_dim3A_782 = arith.constant 15 : i32
        %broadcast_in_dim3A_783 = vector.broadcast %broadcast_in_dim3A_782 : i32 to vector<16xi32>
        %add3A_784 = arith.constant 750 : i32
        %add3A_785 = arith.addi %add3A_784, %scan3A_330 : i32
        %get3A_786 = arith.index_cast %add3A_785 : i32 to index
        %get3A_787 = arith.constant 0 : index
        %get3A_788 = tpu.vector_load %arg8[%get3A_786, %get3A_787] {strides = array<i32>} : memref<800x32xf32, #tpu.memory_space<vmem>>, vector<16xf32>,
        %add3A_789 = arith.constant 0 : i32
        %add3A_790 = vector.broadcast %add3A_789 : i32 to vector<16xi32>
        %add3A_791 = arith.addi %iota3A, %add3A_790 : vector<16xi32>
        %shift_right_arithmetic3A_792 = arith.constant 3 : i32
        %shift_right_arithmetic3A_793 = vector.broadcast %shift_right_arithmetic3A_792 : i32 to vector<16xi32>
        %shift_right_arithmetic3A_794 = arith.shrsi %add3A_791, %shift_right_arithmetic3A_793 : vector<16xi32>
        %and3A_795 = arith.constant 7 : i32
        %and3A_796 = vector.broadcast %and3A_795 : i32 to vector<16xi32>
        %and3A_797 = arith.andi %add3A_791, %and3A_796 : vector<16xi32>
        tpu.vector_store_idx %arg10[%add3A_333, %shift_right_arithmetic3A_794, %and3A_797, %broadcast_in_dim3A_783], %get3A_788 : memref<50x4x8x17xf32, #tpu.memory_space<vmem>>[vector<16xi32>, vector<16xi32>, vector<16xi32>, vector<16xi32>], vector<16xf32>,
        %add3A_798 = arith.constant 750 : i32
        %add3A_799 = arith.addi %add3A_798, %scan3A_330 : i32
        %get3A_800 = arith.index_cast %add3A_799 : i32 to index
        %get3A_801 = arith.constant 16 : index
        %get3A_802 = tpu.vector_load %arg8[%get3A_800, %get3A_801] {strides = array<i32>} : memref<800x32xf32, #tpu.memory_space<vmem>>, vector<16xf32>,
        %add3A_803 = arith.constant 16 : i32
        %add3A_804 = vector.broadcast %add3A_803 : i32 to vector<16xi32>
        %add3A_805 = arith.addi %iota3A, %add3A_804 : vector<16xi32>
        %shift_right_arithmetic3A_806 = arith.constant 3 : i32
        %shift_right_arithmetic3A_807 = vector.broadcast %shift_right_arithmetic3A_806 : i32 to vector<16xi32>
        %shift_right_arithmetic3A_808 = arith.shrsi %add3A_805, %shift_right_arithmetic3A_807 : vector<16xi32>
        %and3A_809 = arith.constant 7 : i32
        %and3A_810 = vector.broadcast %and3A_809 : i32 to vector<16xi32>
        %and3A_811 = arith.andi %add3A_805, %and3A_810 : vector<16xi32>
        tpu.vector_store_idx %arg10[%add3A_333, %shift_right_arithmetic3A_808, %and3A_811, %broadcast_in_dim3A_783], %get3A_802 : memref<50x4x8x17xf32, #tpu.memory_space<vmem>>[vector<16xi32>, vector<16xi32>, vector<16xi32>, vector<16xi32>], vector<16xf32>,
      }
      %scan3A_261 = arith.constant 50 : i32
      %mul3A_262 = arith.constant 16 : i32
      %mul3A_263 = arith.muli %add3A_240, %mul3A_262 : i32
      %add3A_264 = arith.addi %mul3A_2, %mul3A_263 : i32
      %jit3A_265 = arith.constant 128 : i32
      %div3A_266 = arith.divsi %add3A_264, %jit3A_265 : i32
      %sign3A_267 = arith.constant 0 : i32
      %sign3A_268 = arith.cmpi sgt, %add3A_264, %sign3A_267 : i32
      %sign3A_269 = arith.extui %sign3A_268 : i1 to i32
      %sign3A_270 = arith.constant 0 : i32
      %sign3A_271 = arith.cmpi slt, %add3A_264, %sign3A_270 : i32
      %sign3A_272 = arith.extui %sign3A_271 : i1 to i32
      %sign3A_273 = arith.subi %sign3A_269, %sign3A_272 : i32
      %sign3A_274 = arith.constant 0 : i32
      %sign3A_275 = arith.cmpi sgt, %jit3A_265, %sign3A_274 : i32
      %sign3A_276 = arith.extui %sign3A_275 : i1 to i32
      %sign3A_277 = arith.constant 0 : i32
      %sign3A_278 = arith.cmpi slt, %jit3A_265, %sign3A_277 : i32
      %sign3A_279 = arith.extui %sign3A_278 : i1 to i32
      %sign3A_280 = arith.subi %sign3A_276, %sign3A_279 : i32
      %ne3A_281 = arith.cmpi ne, %sign3A_273, %sign3A_280 : i32
      %rem3A_282 = arith.remsi %add3A_264, %jit3A_265 : i32
      %ne3A_283 = arith.constant 0 : i32
      %ne3A_284 = arith.cmpi ne, %rem3A_282, %ne3A_283 : i32
      %and3A_285 = arith.andi %ne3A_281, %ne3A_284 : i1
      %sub3A_286 = arith.constant 1 : i32
      %sub3A_287 = arith.subi %div3A_266, %sub3A_286 : i32
      %select_n3A_288 = arith.select %and3A_285, %sub3A_287, %div3A_266 : i32
      %jit3A_289 = arith.constant 128 : i32
      %eq3A_290 = arith.constant 0 : i32
      %eq3A_291 = arith.cmpi eq, %jit3A_289, %eq3A_290 : i32
      %jit3A_292 = arith.constant 1 : i32
      %select_n3A_293 = arith.select %eq3A_291, %jit3A_292, %jit3A_289 : i32
      %rem3A_294 = arith.remsi %add3A_264, %select_n3A_293 : i32
      %ne3A_295 = arith.constant 0 : i32
      %ne3A_296 = arith.cmpi ne, %rem3A_294, %ne3A_295 : i32
      %lt3A_297 = arith.constant 0 : i32
      %lt3A_298 = arith.cmpi slt, %rem3A_294, %lt3A_297 : i32
      %lt3A_299 = arith.constant 0 : i32
      %lt3A_300 = arith.cmpi slt, %select_n3A_293, %lt3A_299 : i32
      %ne3A_301 = arith.xori %lt3A_298, %lt3A_300 : i1
      %and3A_302 = arith.andi %ne3A_301, %ne3A_296 : i1
      %add3A_303 = arith.addi %rem3A_294, %select_n3A_293 : i32
      %select_n3A_304 = arith.select %and3A_302, %add3A_303, %rem3A_294 : i32
      %dma_start3A_305 = arith.constant 0 : i32
      %dma_start3A_306 = arith.constant 0 : i32
      %dma_start3A_307 = arith.constant 0 : i32
      %dma_start3A_308 = arith.constant 0 : i32
      %dma_start3A_309 = tpu.memref_slice %arg10[%dma_start3A_305, %dma_start3A_306, %dma_start3A_307, %dma_start3A_308] : memref<50x4x8x17xf32, #tpu.memory_space<vmem>> -> memref<50x4x8x16xf32, #tpu.memory_space<vmem>>
      %dma_start3A_310 = arith.constant 0 : i32
      %dma_start3A_311 = arith.constant 0 : i32
      %dma_start3A_312 = arith.constant 0 : i32
      %dma_start3A_313 = tpu.memref_slice %arg4[%dma_start3A_310, %dma_start3A_311, %select_n3A_288, %dma_start3A_312, %select_n3A_304] : memref<50x4x128x8x128xf32, #tpu.memory_space<hbm>> -> memref<50x4x1x8x16xf32, #tpu.memory_space<hbm>>
      %dma_start3A_314 = tpu.memref_squeeze %dma_start3A_313 : memref<50x4x1x8x16xf32, #tpu.memory_space<hbm>> -> memref<50x4x8x16xf32, #tpu.memory_space<hbm>>
      %dma_start3A_315 = arith.constant 0 : i32
      %dma_start3A_316 = arith.constant 0 : i32
      %dma_start3A_317 = arith.constant 0 : i32
      %dma_start3A_318 = tpu.memref_slice %arg4[%dma_start3A_315, %dma_start3A_316, %select_n3A_288, %dma_start3A_317, %select_n3A_304] : memref<50x4x128x8x128xf32, #tpu.memory_space<hbm>> -> memref<50x4x1x8x16xf32, #tpu.memory_space<hbm>>
      %dma_start3A_319 = tpu.memref_squeeze %dma_start3A_318 : memref<50x4x1x8x16xf32, #tpu.memory_space<hbm>> -> memref<50x4x8x16xf32, #tpu.memory_space<hbm>>
      %dma_start3A_320 = arith.constant 0 : i32
      %dma_start3A_321 = arith.constant 0 : i32
      %dma_start3A_322 = arith.constant 0 : i32
      %dma_start3A_323 = arith.constant 0 : i32
      %dma_start3A_324 = tpu.memref_slice %arg10[%dma_start3A_320, %dma_start3A_321, %dma_start3A_322, %dma_start3A_323] : memref<50x4x8x17xf32, #tpu.memory_space<vmem>> -> memref<50x4x8x16xf32, #tpu.memory_space<vmem>>
      tpu.enqueue_dma source(%dma_start3A_324 : memref<50x4x8x16xf32, #tpu.memory_space<vmem>>) target(%dma_start3A_319 : memref<50x4x8x16xf32, #tpu.memory_space<hbm>>) target_semaphore(%arg16 : memref<!tpu.dma_semaphore, #tpu.memory_space<semaphore_mem>>)
      %lt3A_325 = arith.constant 15 : i32
      %lt3A_326 = arith.cmpi slt, %scan3A_141, %lt3A_325 : i32
      %convert_element_type3A_327 = arith.extui %lt3A_326 : i1 to i32
      %cond3A_328 = arith.constant 0 : i32
      %cond3A_329 = arith.cmpi ne, %convert_element_type3A_327, %cond3A_328 : i32
      scf.if %cond3A_329 {
        %add3A_330 = arith.constant 2 : i32
        %add3A_331 = arith.addi %add3A_240, %add3A_330 : i32
        %mul3A_332 = arith.constant 16 : i32
        %mul3A_333 = arith.muli %add3A_331, %mul3A_332 : i32
        %add3A_334 = arith.addi %mul3A_2, %mul3A_333 : i32
        %mul3A_335 = arith.constant 50 : i32
        %mul3A_336 = arith.muli %add3A_334, %mul3A_335 : i32
        %dma_start3A_337 = tpu.memref_slice %arg2[%mul3A_336] : memref<819200xi32, #tpu.memory_space<hbm>> -> memref<800xi32, #tpu.memory_space<hbm>>
        %dma_start3A_338 = tpu.memref_slice %arg2[%mul3A_336] : memref<819200xi32, #tpu.memory_space<hbm>> -> memref<800xi32, #tpu.memory_space<hbm>>
        tpu.enqueue_dma source(%dma_start3A_338 : memref<800xi32, #tpu.memory_space<hbm>>) target(%arg6 : memref<800xi32, #tpu.memory_space<vmem>>) target_semaphore(%arg12 : memref<!tpu.dma_semaphore, #tpu.memory_space<semaphore_mem>>)
      } else {
      }
    }
    %scan3A_26 = arith.constant 16 : i32
    %add3A_27 = arith.constant 480 : i32
    %add3A_28 = arith.addi %mul3A_2, %add3A_27 : i32
    %jit3A = arith.constant 128 : i32
    %div3A = arith.divsi %add3A_28, %jit3A : i32
    %sign3A = arith.constant 0 : i32
    %sign3A_29 = arith.cmpi sgt, %add3A_28, %sign3A : i32
    %sign3A_30 = arith.extui %sign3A_29 : i1 to i32
    %sign3A_31 = arith.constant 0 : i32
    %sign3A_32 = arith.cmpi slt, %add3A_28, %sign3A_31 : i32
    %sign3A_33 = arith.extui %sign3A_32 : i1 to i32
    %sign3A_34 = arith.subi %sign3A_30, %sign3A_33 : i32
    %sign3A_35 = arith.constant 0 : i32
    %sign3A_36 = arith.cmpi sgt, %jit3A, %sign3A_35 : i32
    %sign3A_37 = arith.extui %sign3A_36 : i1 to i32
    %sign3A_38 = arith.constant 0 : i32
    %sign3A_39 = arith.cmpi slt, %jit3A, %sign3A_38 : i32
    %sign3A_40 = arith.extui %sign3A_39 : i1 to i32
    %sign3A_41 = arith.subi %sign3A_37, %sign3A_40 : i32
    %ne3A = arith.cmpi ne, %sign3A_34, %sign3A_41 : i32
    %rem3A = arith.remsi %add3A_28, %jit3A : i32
    %ne3A_42 = arith.constant 0 : i32
    %ne3A_43 = arith.cmpi ne, %rem3A, %ne3A_42 : i32
    %and3A = arith.andi %ne3A, %ne3A_43 : i1
    %sub3A = arith.constant 1 : i32
    %sub3A_44 = arith.subi %div3A, %sub3A : i32
    %select_n3A = arith.select %and3A, %sub3A_44, %div3A : i32
    %jit3A_45 = arith.constant 128 : i32
    %eq3A = arith.constant 0 : i32
    %eq3A_46 = arith.cmpi eq, %jit3A_45, %eq3A : i32
    %jit3A_47 = arith.constant 1 : i32
    %select_n3A_48 = arith.select %eq3A_46, %jit3A_47, %jit3A_45 : i32
    %rem3A_49 = arith.remsi %add3A_28, %select_n3A_48 : i32
    %ne3A_50 = arith.constant 0 : i32
    %ne3A_51 = arith.cmpi ne, %rem3A_49, %ne3A_50 : i32
    %lt3A = arith.constant 0 : i32
    %lt3A_52 = arith.cmpi slt, %rem3A_49, %lt3A : i32
    %lt3A_53 = arith.constant 0 : i32
    %lt3A_54 = arith.cmpi slt, %select_n3A_48, %lt3A_53 : i32
    %ne3A_55 = arith.xori %lt3A_52, %lt3A_54 : i1
    %and3A_56 = arith.andi %ne3A_55, %ne3A_51 : i1
    %add3A_57 = arith.addi %rem3A_49, %select_n3A_48 : i32
    %select_n3A_58 = arith.select %and3A_56, %add3A_57, %rem3A_49 : i32
    %dma_wait3A_59 = arith.constant 0 : i32
    %dma_wait3A_60 = arith.constant 0 : i32
    %dma_wait3A_61 = arith.constant 0 : i32
    %dma_wait3A_62 = arith.constant 0 : i32
    %dma_wait3A_63 = tpu.memref_slice %arg9[%dma_wait3A_59, %dma_wait3A_60, %dma_wait3A_61, %dma_wait3A_62] : memref<50x4x8x17xf32, #tpu.memory_space<vmem>> -> memref<50x4x8x16xf32, #tpu.memory_space<vmem>>
    %dma_wait3A_64 = arith.constant 0 : i32
    %dma_wait3A_65 = arith.constant 0 : i32
    %dma_wait3A_66 = arith.constant 0 : i32
    %dma_wait3A_67 = tpu.memref_slice %arg4[%dma_wait3A_64, %dma_wait3A_65, %select_n3A, %dma_wait3A_66, %select_n3A_58] : memref<50x4x128x8x128xf32, #tpu.memory_space<hbm>> -> memref<50x4x1x8x16xf32, #tpu.memory_space<hbm>>
    %dma_wait3A_68 = tpu.memref_squeeze %dma_wait3A_67 : memref<50x4x1x8x16xf32, #tpu.memory_space<hbm>> -> memref<50x4x8x16xf32, #tpu.memory_space<hbm>>
    %dma_wait3A_69 = arith.constant 0 : i32
    %dma_wait3A_70 = arith.constant 0 : i32
    %dma_wait3A_71 = arith.constant 0 : i32
    %dma_wait3A_72 = tpu.memref_slice %arg4[%dma_wait3A_69, %dma_wait3A_70, %select_n3A, %dma_wait3A_71, %select_n3A_58] : memref<50x4x128x8x128xf32, #tpu.memory_space<hbm>> -> memref<50x4x1x8x16xf32, #tpu.memory_space<hbm>>
    %dma_wait3A_73 = tpu.memref_squeeze %dma_wait3A_72 : memref<50x4x1x8x16xf32, #tpu.memory_space<hbm>> -> memref<50x4x8x16xf32, #tpu.memory_space<hbm>>
    %dma_wait3A_74 = arith.constant 0 : i32
    %dma_wait3A_75 = arith.constant 0 : i32
    %dma_wait3A_76 = arith.constant 0 : i32
    %dma_wait3A_77 = arith.constant 0 : i32
    %dma_wait3A_78 = tpu.memref_slice %arg9[%dma_wait3A_74, %dma_wait3A_75, %dma_wait3A_76, %dma_wait3A_77] : memref<50x4x8x17xf32, #tpu.memory_space<vmem>> -> memref<50x4x8x16xf32, #tpu.memory_space<vmem>>
    tpu.wait_dma2 semaphore(%arg15 : memref<!tpu.dma_semaphore, #tpu.memory_space<semaphore_mem>>) src(%dma_wait3A_78 : memref<50x4x8x16xf32, #tpu.memory_space<vmem>>) dst(%dma_wait3A_73 : memref<50x4x8x16xf32, #tpu.memory_space<hbm>>)
    %add3A_79 = arith.constant 496 : i32
    %add3A_80 = arith.addi %mul3A_2, %add3A_79 : i32
    %jit3A_81 = arith.constant 128 : i32
    %div3A_82 = arith.divsi %add3A_80, %jit3A_81 : i32
    %sign3A_83 = arith.constant 0 : i32
    %sign3A_84 = arith.cmpi sgt, %add3A_80, %sign3A_83 : i32
    %sign3A_85 = arith.extui %sign3A_84 : i1 to i32
    %sign3A_86 = arith.constant 0 : i32
    %sign3A_87 = arith.cmpi slt, %add3A_80, %sign3A_86 : i32
    %sign3A_88 = arith.extui %sign3A_87 : i1 to i32
    %sign3A_89 = arith.subi %sign3A_85, %sign3A_88 : i32
    %sign3A_90 = arith.constant 0 : i32
    %sign3A_91 = arith.cmpi sgt, %jit3A_81, %sign3A_90 : i32
    %sign3A_92 = arith.extui %sign3A_91 : i1 to i32
    %sign3A_93 = arith.constant 0 : i32
    %sign3A_94 = arith.cmpi slt, %jit3A_81, %sign3A_93 : i32
    %sign3A_95 = arith.extui %sign3A_94 : i1 to i32
    %sign3A_96 = arith.subi %sign3A_92, %sign3A_95 : i32
    %ne3A_97 = arith.cmpi ne, %sign3A_89, %sign3A_96 : i32
    %rem3A_98 = arith.remsi %add3A_80, %jit3A_81 : i32
    %ne3A_99 = arith.constant 0 : i32
    %ne3A_100 = arith.cmpi ne, %rem3A_98, %ne3A_99 : i32
    %and3A_101 = arith.andi %ne3A_97, %ne3A_100 : i1
    %sub3A_102 = arith.constant 1 : i32
    %sub3A_103 = arith.subi %div3A_82, %sub3A_102 : i32
    %select_n3A_104 = arith.select %and3A_101, %sub3A_103, %div3A_82 : i32
    %jit3A_105 = arith.constant 128 : i32
    %eq3A_106 = arith.constant 0 : i32
    %eq3A_107 = arith.cmpi eq, %jit3A_105, %eq3A_106 : i32
    %jit3A_108 = arith.constant 1 : i32
    %select_n3A_109 = arith.select %eq3A_107, %jit3A_108, %jit3A_105 : i32
    %rem3A_110 = arith.remsi %add3A_80, %select_n3A_109 : i32
    %ne3A_111 = arith.constant 0 : i32
    %ne3A_112 = arith.cmpi ne, %rem3A_110, %ne3A_111 : i32
    %lt3A_113 = arith.constant 0 : i32
    %lt3A_114 = arith.cmpi slt, %rem3A_110, %lt3A_113 : i32
    %lt3A_115 = arith.constant 0 : i32
    %lt3A_116 = arith.cmpi slt, %select_n3A_109, %lt3A_115 : i32
    %ne3A_117 = arith.xori %lt3A_114, %lt3A_116 : i1
    %and3A_118 = arith.andi %ne3A_117, %ne3A_112 : i1
    %add3A_119 = arith.addi %rem3A_110, %select_n3A_109 : i32
    %select_n3A_120 = arith.select %and3A_118, %add3A_119, %rem3A_110 : i32
    %dma_wait3A_121 = arith.constant 0 : i32
    %dma_wait3A_122 = arith.constant 0 : i32
    %dma_wait3A_123 = arith.constant 0 : i32
    %dma_wait3A_124 = arith.constant 0 : i32
    %dma_wait3A_125 = tpu.memref_slice %arg10[%dma_wait3A_121, %dma_wait3A_122, %dma_wait3A_123, %dma_wait3A_124] : memref<50x4x8x17xf32, #tpu.memory_space<vmem>> -> memref<50x4x8x16xf32, #tpu.memory_space<vmem>>
    %dma_wait3A_126 = arith.constant 0 : i32
    %dma_wait3A_127 = arith.constant 0 : i32
    %dma_wait3A_128 = arith.constant 0 : i32
    %dma_wait3A_129 = tpu.memref_slice %arg4[%dma_wait3A_126, %dma_wait3A_127, %select_n3A_104, %dma_wait3A_128, %select_n3A_120] : memref<50x4x128x8x128xf32, #tpu.memory_space<hbm>> -> memref<50x4x1x8x16xf32, #tpu.memory_space<hbm>>
    %dma_wait3A_130 = tpu.memref_squeeze %dma_wait3A_129 : memref<50x4x1x8x16xf32, #tpu.memory_space<hbm>> -> memref<50x4x8x16xf32, #tpu.memory_space<hbm>>
    %dma_wait3A_131 = arith.constant 0 : i32
    %dma_wait3A_132 = arith.constant 0 : i32
    %dma_wait3A_133 = arith.constant 0 : i32
    %dma_wait3A_134 = tpu.memref_slice %arg4[%dma_wait3A_131, %dma_wait3A_132, %select_n3A_104, %dma_wait3A_133, %select_n3A_120] : memref<50x4x128x8x128xf32, #tpu.memory_space<hbm>> -> memref<50x4x1x8x16xf32, #tpu.memory_space<hbm>>
    %dma_wait3A_135 = tpu.memref_squeeze %dma_wait3A_134 : memref<50x4x1x8x16xf32, #tpu.memory_space<hbm>> -> memref<50x4x8x16xf32, #tpu.memory_space<hbm>>
    %dma_wait3A_136 = arith.constant 0 : i32
    %dma_wait3A_137 = arith.constant 0 : i32
    %dma_wait3A_138 = arith.constant 0 : i32
    %dma_wait3A_139 = arith.constant 0 : i32
    %dma_wait3A_140 = tpu.memref_slice %arg10[%dma_wait3A_136, %dma_wait3A_137, %dma_wait3A_138, %dma_wait3A_139] : memref<50x4x8x17xf32, #tpu.memory_space<vmem>> -> memref<50x4x8x16xf32, #tpu.memory_space<vmem>>
    tpu.wait_dma2 semaphore(%arg16 : memref<!tpu.dma_semaphore, #tpu.memory_space<semaphore_mem>>) src(%dma_wait3A_140 : memref<50x4x8x16xf32, #tpu.memory_space<vmem>>) dst(%dma_wait3A_135 : memref<50x4x8x16xf32, #tpu.memory_space<hbm>>)
    return
  }
}

</mosaic_0001>

<sc_bundles>
// kernel: kernel.3.cloned.1.call-start
scs
__scs_entry_jumppad:
0x0: {  	(pc) =	sbr.rel $0x88, $3  }
0x1: {  	(tag) =	ssettag $0x0;
	lr =	simm.s32 $0x1  }
0x2: {  	[smem:$0x3F9F] =	sst lr;
	_ =	strace $0xD0000000  }
0x3: {  	_ = 	snop  }
0x4: {  	_ = 	snop  }
0x5: {  	_ = 	snop  }
0x6: {  	_ = 	snop  }
0x7: {  	_ = 	snop  }
__scs_overlays_trampoline_lowered:
0x8: {  	[smem:$0x3FAE] =	sst s0  }
0x9: {  	[smem:$0x3FAF] =	sst s1  }
0xa: {  	[smem:$0x3FB0] =	sst s2  }
0xb: {  	[smem:$0x3FB1] =	sst s3  }
0xc: {  	[smem:$0x3FB2] =	sst s4  }
0xd: {  	[smem:$0x3FB3] =	sst s5  }
0xe: {  	[smem:$0x3FB4] =	sst s6  }
0xf: {  	[smem:$0x3FB5] =	sst s7  }
0x10: {  	[smem:$0x3FB6] =	sst s8  }
0x11: {  	[smem:$0x3FB7] =	sst s9;
	s0 =	simm.s32 @!p0 $0x0  }
0x12: {  	s1 =	sld [smem:$0x3F9D];
	s0 =	simm.s32 @p0 $0x1  }
0x13: {  	[smem:$0x3FB8] =	sst s0;
	s0 =	simm.s32 @!p1 $0x0  }
0x14: {  	s2 =	sld [smem:$0x3F9C];
	s0 =	simm.s32 @p1 $0x1  }
0x15: {  	[smem:$0x3FB9] =	sst s0;
	s0 =	simm.s32 @!p2 $0x0  }
0x16: {  	s3 =	sld [smem:$0x3FDB];
	s0 =	simm.s32 @p2 $0x1  }
0x17: {  	s4 =	simm.s32 $0x1BF5;
	[smem:$0x3FBB] =	sst s0  }
0x18: {  	s0 =	sld [smem:$0x3F9E];
	_ =	swait.ge [sflag:s4], $0x0  }
0x19: {  	s7 =	sld [smem:$0x3F9F]  }
0x1a: {  	s8 =	sadd.s32 $0xFFFFE003, lr  }
0x1b: {  	s9 =	sadd.s32 $0xFFFFFEF7, lr;
	s5 =	simm.s32 $0xFFFFFFFF;
	p2 =	slt.u32 s8, $0xFFFFF086  }
0x1c: {  	p1 =	slt.u32 s9, $0xF7A;
	s5 =	simm.s32 @!p2 $0x0  }
0x1d: {  	s5 =	simm.s32 @p1 $0x1;
	p0 =	seq.s32 s7, s2  }
0x1e: {  	s7 =	smul.u32 @!p0 $0xF7A, s2;
	p2 =	seq.s32 @!p0 s5, $0x0  }
0x1f: {  	s9 =	smul.u32 $0xF7A, s1;
	s8 =	simm.s32 @!p0 $0x1BF5;
	p2 =	por !p2, p0  }
0x20: {  	[sflag:s8] =	ssyncset.s32 @!p0 $0xFFFFF086;
	s6 =	sadd.s32 @!p0 s3, s7;
	s7 =	simm.s32 @!p0 $0x108  }
0x21: {  	s3 =	sadd.s32 s3, s9;
	s6 =	sadd.s32 @!p0 $0x88, s6;
	s7 =	simm.s32 @p2 $0x1082  }
0x22: {  	[simem:s7], [sflag:s8] =	dma.local @!p0 [hbm:s6], $0xF7A  }
0x23: {  	s9 =	sor.u32 $0xD0000000, s2;
	s6 =	simm.s32 $0x108;
	_ =	swait.ge @!p0 [sflag:s8], $0x0  }
0x24: {  	s3 =	sadd.s32 $0x88, s3;
	s6 =	simm.s32 @!p1 $0x1082;
	[sflag:s4] =	ssyncset.s32 $0xFFFFF086  }
0x25: {  	[simem:s6], [sflag:s4] =	dma.local [hbm:s3], $0xF7A  }
0x26: {  	[smem:$0x3F9F] =	sst s1;
	(tag) =	ssettag s2;
	_ =	strace s9  }
0x27: {  	s1 =	sld [smem:$0x3FAF]  }
0x28: {  	s2 =	sld [smem:$0x3FB0]  }
0x29: {  	s4 =	sld [smem:$0x3FB2]  }
0x2a: {  	p0 =	seq.s32 s5, $0x0;
	s5 =	sld [smem:$0x3FB3]  }
0x2b: {  	s6 =	sld [smem:$0x3FB4]  }
0x2c: {  	s7 =	sld [smem:$0x3FB5]  }
0x2d: {  	s3 =	simm.s32 $0x108;
	s8 =	sld [smem:$0x3FB6]  }
0x2e: {  	s3 =	simm.s32 @!p0 $0x1082;
	s9 =	sld [smem:$0x3FB7]  }
0x2f: {  	lr =	sadd.s32 s0, s3;
	s0 =	sld [smem:$0x3FAE]  }
0x30: {  	s3 =	sld [smem:$0x3FB1]  }
0x31: {  	[smem:$0x3FBA] =	sst s10  }
0x32: {  	s10 =	sld [smem:$0x3FB8];
	_ =	sdelay $0x3  }
0x33: {  	p0 =	seq.s32 s10, $0x1;
	s10 =	sld [smem:$0x3FBA];
	_ =	sdelay $0x3  }
0x34: {  	[smem:$0x3FBA] =	sst s10  }
0x35: {  	s10 =	sld [smem:$0x3FB9];
	_ =	sdelay $0x3  }
0x36: {  	p1 =	seq.s32 s10, $0x1;
	s10 =	sld [smem:$0x3FBA];
	_ =	sdelay $0x3  }
0x37: {  	[smem:$0x3FBA] =	sst s10  }
0x38: {  	s10 =	sld [smem:$0x3FBB]  }
0x39: {  	_ = 	snop;
	(pc) =	sbr.ind lr, $3  }
0x3a: {  	_ = 	snop  }
0x3b: {  	_ = 	snop  }
0x3c: {  	p2 =	seq.s32 s10, $0x1;
	s10 =	sld [smem:$0x3FBA]  }
0x3d: {  	_ =	shalt  }
0x3e: {  	_ =	shalt  }
0x3f: {  	_ =	shalt  }
0x40: {  	_ =	shalt  }
0x41: {  	_ =	shalt  }
0x42: {  	_ =	shalt  }
0x43: {  	_ =	shalt  }
0x44: {  	_ =	shalt  }
0x45: {  	_ =	shalt  }
0x46: {  	_ =	shalt  }
0x47: {  	_ =	shalt  }
0x48: {  	_ =	shalt  }
0x49: {  	_ =	shalt  }
0x4a: {  	_ =	shalt  }
0x4b: {  	_ =	shalt  }
0x4c: {  	_ =	shalt  }
0x4d: {  	_ =	shalt  }
0x4e: {  	_ =	shalt  }
0x4f: {  	_ =	shalt  }
0x50: {  	_ =	shalt  }
0x51: {  	_ =	shalt  }
0x52: {  	_ =	shalt  }
0x53: {  	_ =	shalt  }
0x54: {  	_ =	shalt  }
0x55: {  	_ =	shalt  }
0x56: {  	_ =	shalt  }
0x57: {  	_ =	shalt  }
0x58: {  	_ =	shalt  }
0x59: {  	_ =	shalt  }
0x5a: {  	_ =	shalt  }
0x5b: {  	_ =	shalt  }
0x5c: {  	_ =	shalt  }
0x5d: {  	_ =	shalt  }
0x5e: {  	_ =	shalt  }
0x5f: {  	_ =	shalt  }
0x60: {  	_ =	shalt  }
0x61: {  	_ =	shalt  }
0x62: {  	_ =	shalt  }
0x63: {  	_ =	shalt  }
0x64: {  	_ =	shalt  }
0x65: {  	_ =	shalt  }
0x66: {  	_ =	shalt  }
0x67: {  	_ =	shalt  }
0x68: {  	_ =	shalt  }
0x69: {  	_ =	shalt  }
0x6a: {  	_ =	shalt  }
0x6b: {  	_ =	shalt  }
0x6c: {  	_ =	shalt  }
0x6d: {  	_ =	shalt  }
0x6e: {  	_ =	shalt  }
0x6f: {  	_ =	shalt  }
0x70: {  	_ =	shalt  }
0x71: {  	_ =	shalt  }
0x72: {  	_ =	shalt  }
0x73: {  	_ =	shalt  }
0x74: {  	_ =	shalt  }
0x75: {  	_ =	shalt  }
0x76: {  	_ =	shalt  }
0x77: {  	_ =	shalt  }
0x78: {  	_ =	shalt  }
0x79: {  	_ =	shalt  }
0x7a: {  	_ =	shalt  }
0x7b: {  	_ =	shalt  }
0x7c: {  	_ =	shalt  }
0x7d: {  	_ =	shalt  }
0x7e: {  	_ =	shalt  }
0x7f: {  	_ =	shalt  }
0x80: {  	_ =	shalt  }
0x81: {  	_ =	shalt  }
0x82: {  	_ =	shalt  }
0x83: {  	_ =	shalt  }
0x84: {  	_ =	shalt  }
0x85: {  	_ =	shalt  }
0x86: {  	_ =	shalt  }
0x87: {  	_ =	shalt  }
.Lfunc_end0:
.L_simem_size_0:
called_computation_lowered:
.L_overlay_start_0:
0x88: {  	s2 =	sld [smem:$0x3FD9]  }
0x89: {  	s3 =	sld [smem:$0x3FFE];
	_ =	sdelay $0x1  }
0x8a: {  	s1 =	srdreg.scid  }
0x8b: {  	s0 =	sand.u32 $0x1, s1  }
0x8c: {  	s17 =	sshll.u32 s0, $0xA;
	s2 =	sadd.s32 s3, s2  }
0x8d: {  	s2 =	sadd.s32 s2, s17  }
0x8e: {  	[smem:$0x3FC6] =	sst s2  }
0x8f: {  	_ = 	snop  }
0x90: {  	s2 =	sld [smem:$0x3FD0];
	(tm) =	ssettm $0x1  }
0x91: {  	s18 =	sld [smem:$0x3FFB];
	_ =	sdelay $0x3  }
0x92: {  	_ =	strace s18  }
0x93: {  	s3 =	sld [smem:$0x3FFC];
	_ =	sdelay $0x3  }
0x94: {  	_ =	strace s3  }
0x95: {  	s3 =	sld [smem:$0x3FFD];
	_ =	sdelay $0x3  }
0x96: {  	_ =	strace s3  }
0x97: {  	_ =	strace $0x8FFFFFFF  }
0x98: {  	s19 =	sld [smem:$0x3FDB];
	_ =	sdelay $0x1  }
0x99: {  	s4 =	simm.s32 $_scs_section_size  }
0x9a: {  	s5 =	simm.s32 $_size__tile_overlayer_lowered;
	s6 =	simm.s32 $_tile_overlayer_lowered  }
0x9b: {  	s22 =	simm.s32 $0x1BFF;
	s21 =	sshll.u32 s6, $0x1;
	s3 =	sadd.s32 s4, s19  }
0x9c: {  	s7 =	simm.s32 $0x0;
	s20 =	sshll.u32 s5, $0x1;
	s5 =	sadd.s32 s21, s3  }
0x9d: {  	[timem:s7], [sflag:s22] =	dma.local [hbm:s5], s20  }
0x9e: {  	_ =	swait.ge [sflag:s22], s20  }
0x9f: {  	s4 =	ssub.s32 $0x0, s20;
	[sflag:s22] =	ssyncset.done $0x0  }
0xa0: {  	[sflag:s22] =	ssyncadd.s32 s4;
	_ =	sdelay $0x1  }
0xa1: {  	s23 =	simm.s32 $0x1B8B  }
0xa2: {  	_ =	swait.ge [sflag:s23], $0x1  }
0xa3: {  	[sflag:s23] =	ssyncset.done $0x0  }
0xa4: {  	s25 =	simm.s32 $0x1B8E;
	s24 =	sld [smem:$0x3FFE];
	[sflag:s23] =	ssyncadd.s32 $0xFFFFFFFF  }
0xa5: {  	s26 =	simm.s32 $execute0_lowered;
	[smem:$0x3FD2] =	sst s25  }
0xa6: {  	s5 =	sshll.u32 s26, $0x1;
	_ =	strace $0x80000046;
	[dreg:$0x1] =	wrdreg $0xFFFFFFFF  }
0xa7: {  	s28 =	simm.s32 $_size_execute0_lowered;
	s3 =	sadd.s32 s3, s5;
	[dreg:$0x0] =	wrdreg $0x0  }
0xa8: {  	s5 =	sshll.u32 s28, $0x1;
	[dreg:$0x2] =	wrdreg s3  }
0xa9: {  	[dreg:$0x3] =	wrdreg s5  }
0xaa: {  	[dreg:$0x4] =	wrdreg $0xC0  }
0xab: {  	_ =	task [dreg:s7], $0x5FFFF  }
0xac: {  	[dreg:$0x1] =	wrdreg $0xFFFFFFFF  }
0xad: {  	[dreg:$0x0] =	wrdreg $0x60  }
0xae: {  	[dreg:$0x2] =	wrdreg s24  }
0xaf: {  	[dreg:$0x3] =	wrdreg s2  }
0xb0: {  	[dreg:$0x4] =	wrdreg $0x9  }
0xb1: {  	_ =	task.clear_ibuf [dreg:s7], $0x5FFFF;
	_ =	strace $0x90000046  }
0xb2: {  	s29 =	simm.s32 $0x9;
	_ =	strace $0x80000048  }
0xb3: {  	_ =	swait.ge [sflag:s29], $0x1  }
0xb4: {  	[sflag:s29] =	ssyncadd.s32 $0xFFFFFFFF  }
0xb5: {  	_ =	strace $0x90000048  }
0xb6: {  	_ =	sfence  }
0xb7: {  	s30 =	sld [smem:$0x0];
	_ =	sdelay $0x2  }
0xb8: {  	s31 =	sshll.u32 s1, $0xD;
	s1 =	sshrl.u32 s1, $0x2  }
0xb9: {  	s3 =	sand.u32 $0x4000, s31;
	s1 =	sadd.s32 s1, s30  }
0xba: {  	s0 =	sor.u32 s3, s0;
	s1 =	sshll.u32 s1, $0x11  }
0xbb: {  	s0 =	sor.u32 s1, s0  }
0xbc: {  	s0 =	sadd.s32 $0x8F2B, s0  }
0xbd: {  	[sflag:s0] =	ssyncadd.remote.s32 $0x1  }
0xbe: {  	_ =	sfence.sel $0xFFFF  }
0xbf: {  	[dreg:$0x0] =	wrdreg $0xFFFFFFFF;
	(pc) =	sbr.abs _section_cstart, $3  }
0xc0: {  	[dreg:$0x1] =	wrdreg $0xFFFFFFFF  }
0xc1: {  	_ =	task.clear_ibuf [dreg:s7], $0x2FFFF;
	_ =	strace $0x9FFFFFFF  }
0xc2: {  	(tm) =	ssettm $0x7FFFFFFF  }
0xc3: {  	_ =	shalt  }
tec
execute0_lowered:
.L_overlay_start_1:
0x0: {  	(tag) =	ssettag $0x1  }
0x1: {  	v0 =	vlaneseq.u32  }
0x2: {  	s0 =	rddreg [dreg:$0x0];
	v0 =	vmul.u32 $0x18, v0  }
0x3: {  	s1 =	srdreg.scid;
	s3 =	stileid.u32  }
0x4: {  	s2 =	rddreg [dreg:$0x1];
	s12 =	simm.s32 $0x320;
	s13 =	simm.s32 $0x1;
	v1 =	vadd.s32 $0x180, v0  }
0x5: {  	s14 =	simm.s32 $0x640;
	s15 =	simm.s32 $0x2;
	s16 =	simm.s32 $0x6A40;
	v2 =	vor.u32 $0x1, v0;
	v3 =	vadd.s32 $0x181, v0;
	v4 =	vor.u32 $0x2, v0  }
0x6: {  	s17 =	simm.s32 $0x3;
	s18 =	simm.s32 $0xCE40;
	s19 =	simm.s32 $0x4;
	v5 =	vadd.s32 $0x182, v0;
	v6 =	vor.u32 $0x3, v0;
	v7 =	vadd.s32 $0x183, v0  }
0x7: {  	s20 =	simm.s32 $0x6;
	s1 =	sand.u32 $0x1, s1;
	s4 =	sshll.u32 s3, $0x1;
	v8 =	vor.u32 $0x4, v0;
	v9 =	vadd.s32 $0x184, v0;
	v10 =	vor.u32 $0x5, v0  }
0x8: {  	s21 =	simm.s32 $0x16440;
	s22 =	simm.s32 $0x5;
	s7 =	sor.u32 s1, s4;
	v11 =	vadd.s32 $0x185, v0;
	v12 =	vor.u32 $0x6, v0;
	v13 =	vadd.s32 $0x186, v0  }
0x9: {  	s3 =	simm.s32 $0x0;
	s5 =	sadd.s32 $0xF42A00, s0;
	s6 =	smul.u32 $0xC80, s7;
	v14 =	vor.u32 $0x7, v0;
	v15 =	vadd.s32 $0x187, v0;
	v16 =	vadd.s32 $0x8, v0  }
.Ltmp0:
0xa: {  	s23 =	simm.s32 $0x0;
	[smem:$0x7FF] =	sst s3;
	v17 =	vadd.s32 $0x188, v0;
	v18 =	vadd.s32 $0x9, v0;
	v19 =	vadd.s32 $0x189, v0;
	(pc) =	sbr.rel .LBB2_1-.Ltmp0, $4  }
0xb: {  	s4 =	sadd.s32 $0x600, s0;
	s1 =	ssub.s32 $0x2, s1;
	_ =	strace $0x80000047;
	v20 =	vadd.s32 $0xA, v0;
	v21 =	vadd.s32 $0x18A, v0;
	v22 =	vadd.s32 $0xB, v0  }
0xc: {  	s30 =	sshrl.u32 s1, $0x1;
	s7 =	sshll.u32 s7, $0x9;
	v23 =	vadd.s32 $0x18B, v0;
	v24 =	vadd.s32 $0xC, v0;
	v25 =	vadd.s32 $0x18C, v0;
	s6 =	sadd.s32 s4, s6  }
0xd: {  	v26 =	vadd.s32 $0xD, v0;
	v27 =	vadd.s32 $0x18D, v0;
	v28 =	vadd.s32 $0xE, v0;
	s0 =	ssub.s32 s1, s30;
	s9 =	sor.u32 $0x20, s7;
	s31 =	sadd.s32 $0x64, s6  }
0xe: {  	v29 =	vadd.s32 $0x18E, v0;
	v30 =	vadd.s32 $0xF, v0;
	v31 =	vadd.s32 $0x18F, v0;
	s10 =	sor.u32 $0x30, s7;
	s11 =	smax.u32 s0, $0x1;
	[dreg:$0x3] =	wrdreg s31  }
.LBB2_16:
0xf: {  	s23 =	sadd.s32 $0x1, s23  }
0x10: {  	_ =	swait.ge [sflag:s22], $0x6400;
	p0 =	sne.s32 s23, s11  }
.Ltmp1:
0x11: {  	[sflag:s22] =	ssyncset.done $0x0;
	(pc) =	sbr.rel @!p0 .LBB2_17-.Ltmp1, $4  }
0x12: {  	[sflag:s22] =	ssyncadd.s32 $0xFFFF9C00  }
0x13: {  	_ =	swait.ge [sflag:s20], $0x6400  }
0x14: {  	[sflag:s20] =	ssyncset.done $0x0  }
0x15: {  	[sflag:s20] =	ssyncadd.s32 $0xFFFF9C00  }
.LBB2_1:
0x16: {  	[tilespmem:s3], [sflag:$0x1] =	stream.linear.gather [hbm4b:s6+s3], $0x320, $0x38;
	[tilespmem:$0x1FA40] =	vst v63  }
0x17: {  	s0 =	rddreg [dreg:$0x3]  }
0x18: {  	[tilespmem:s12], [sflag:$0x2] =	stream.linear.gather [hbm4b:s0+s3], $0x320, $0x38;
	[tilespmem:$0x1FA40] =	vst v63  }
0x19: {  	_ =	swait.ge [sflag:s13], $0x320  }
0x1a: {  	[sflag:s13] =	ssyncset.done $0x0  }
0x1b: {  	s24 =	simm.s32 $0x0;
	[sflag:s13] =	ssyncadd.s32 $0xFFFFFCE0  }
0x1c: {  	[tilespmem:s14], [sflag:$0x3] =	stream.indirect.gather [hbm4b:s5+s12], $0x20, s3, s12, $0xb8;
	[tilespmem:$0x1FA40] =	vst v63  }
.LBB2_2:
0x1d: {  	_ =	swait.ge [sflag:s15], $0x320  }
0x1e: {  	[sflag:s15] =	ssyncset.done $0x0  }
0x1f: {  	[sflag:s15] =	ssyncadd.s32 $0xFFFFFCE0  }
0x20: {  	[tilespmem:s16], [sflag:$0x4] =	stream.indirect.gather [hbm4b:s5+s12], $0x20, s12, s12, $0xb8;
	[tilespmem:$0x1FA40] =	vst v63  }
0x21: {  	s0 =	simm.s32 $0x0;
	_ =	swait.ge [sflag:s17], $0x6400  }
0x22: {  	p0 =	seq.s32 s24, $0x0;
	v32 =	vmov s0;
	[sflag:s17] =	ssyncset.done $0x0  }
0x23: {  	s0 =	simm.s32 @!p0 $0x5;
	v32 =	vmul.u32 $0x300, v32;
	[sflag:s17] =	ssyncadd.s32 $0xFFFF9C00  }
0x24: {  	_ =	swait.ge @!p0 [sflag:s0], $0x6400  }
0x25: {  	v32 =	vbroadcast v32, $0x0;
	[sflag:s0] =	ssyncset.done @!p0 $0x0  }
0x26: {  	s1 =	simm.s32 $0x0;
	[sflag:s0] =	ssyncadd.s32 @!p0 $0xFFFF9C00  }
0x27: {  	v34 =	vadd.s32 v0, v32;
	v33 =	vld [tilespmem:s1+$0x640];
	_ =	sdelay $0x4  }
0x28: {  	[tilespmem:v34+s18+$0x0] =	vst.idx.msk $0xffff, v33  }
0x29: {  	v62 =	vadd.s32 v1, v32;
	v33 =	vld [tilespmem:s1+$0x650];
	_ =	sdelay $0x4  }
0x2a: {  	[tilespmem:v62+s18+$0x0] =	vst.idx.msk $0xffff, v33  }
0x2b: {  	v63 =	vadd.s32 v2, v32;
	v33 =	vld [tilespmem:s1+$0xC80];
	_ =	sdelay $0x4  }
0x2c: {  	[tilespmem:v63+s18+$0x0] =	vst.idx.msk $0xffff, v33  }
0x2d: {  	v36 =	vadd.s32 v3, v32;
	v33 =	vld [tilespmem:s1+$0xC90];
	_ =	sdelay $0x4  }
0x2e: {  	[tilespmem:v36+s18+$0x0] =	vst.idx.msk $0xffff, v33  }
0x2f: {  	v37 =	vadd.s32 v4, v32;
	v33 =	vld [tilespmem:s1+$0x12C0];
	_ =	sdelay $0x4  }
0x30: {  	[tilespmem:v37+s18+$0x0] =	vst.idx.msk $0xffff, v33  }
0x31: {  	v38 =	vadd.s32 v5, v32;
	v33 =	vld [tilespmem:s1+$0x12D0];
	_ =	sdelay $0x4  }
0x32: {  	[tilespmem:v38+s18+$0x0] =	vst.idx.msk $0xffff, v33  }
0x33: {  	v39 =	vadd.s32 v6, v32;
	v33 =	vld [tilespmem:s1+$0x1900];
	_ =	sdelay $0x4  }
0x34: {  	[tilespmem:v39+s18+$0x0] =	vst.idx.msk $0xffff, v33  }
0x35: {  	v40 =	vadd.s32 v7, v32;
	v33 =	vld [tilespmem:s1+$0x1910];
	_ =	sdelay $0x4  }
0x36: {  	[tilespmem:v40+s18+$0x0] =	vst.idx.msk $0xffff, v33  }
0x37: {  	v41 =	vadd.s32 v8, v32;
	v33 =	vld [tilespmem:s1+$0x1F40];
	_ =	sdelay $0x4  }
0x38: {  	[tilespmem:v41+s18+$0x0] =	vst.idx.msk $0xffff, v33  }
0x39: {  	v42 =	vadd.s32 v9, v32;
	v33 =	vld [tilespmem:s1+$0x1F50];
	_ =	sdelay $0x4  }
0x3a: {  	[tilespmem:v42+s18+$0x0] =	vst.idx.msk $0xffff, v33  }
0x3b: {  	v43 =	vadd.s32 v10, v32;
	v33 =	vld [tilespmem:s1+$0x2580];
	_ =	sdelay $0x4  }
0x3c: {  	[tilespmem:v43+s18+$0x0] =	vst.idx.msk $0xffff, v33  }
0x3d: {  	v44 =	vadd.s32 v11, v32;
	v33 =	vld [tilespmem:s1+$0x2590];
	_ =	sdelay $0x4  }
0x3e: {  	[tilespmem:v44+s18+$0x0] =	vst.idx.msk $0xffff, v33  }
0x3f: {  	v45 =	vadd.s32 v12, v32;
	v33 =	vld [tilespmem:s1+$0x2BC0];
	_ =	sdelay $0x4  }
0x40: {  	[tilespmem:v45+s18+$0x0] =	vst.idx.msk $0xffff, v33  }
0x41: {  	v46 =	vadd.s32 v13, v32;
	v33 =	vld [tilespmem:s1+$0x2BD0];
	_ =	sdelay $0x4  }
0x42: {  	[tilespmem:v46+s18+$0x0] =	vst.idx.msk $0xffff, v33  }
0x43: {  	v47 =	vadd.s32 v14, v32;
	v33 =	vld [tilespmem:s1+$0x3200];
	_ =	sdelay $0x4  }
0x44: {  	[tilespmem:v47+s18+$0x0] =	vst.idx.msk $0xffff, v33  }
0x45: {  	v48 =	vadd.s32 v15, v32;
	v33 =	vld [tilespmem:s1+$0x3210];
	_ =	sdelay $0x4  }
0x46: {  	[tilespmem:v48+s18+$0x0] =	vst.idx.msk $0xffff, v33  }
0x47: {  	v49 =	vadd.s32 v16, v32;
	v33 =	vld [tilespmem:s1+$0x3840];
	_ =	sdelay $0x4  }
0x48: {  	[tilespmem:v49+s18+$0x0] =	vst.idx.msk $0xffff, v33  }
0x49: {  	v50 =	vadd.s32 v17, v32;
	v33 =	vld [tilespmem:s1+$0x3850];
	_ =	sdelay $0x4  }
0x4a: {  	[tilespmem:v50+s18+$0x0] =	vst.idx.msk $0xffff, v33  }
0x4b: {  	v51 =	vadd.s32 v18, v32;
	v33 =	vld [tilespmem:s1+$0x3E80];
	_ =	sdelay $0x4  }
0x4c: {  	[tilespmem:v51+s18+$0x0] =	vst.idx.msk $0xffff, v33  }
0x4d: {  	v52 =	vadd.s32 v19, v32;
	v33 =	vld [tilespmem:s1+$0x3E90];
	_ =	sdelay $0x4  }
0x4e: {  	[tilespmem:v52+s18+$0x0] =	vst.idx.msk $0xffff, v33  }
0x4f: {  	v53 =	vadd.s32 v20, v32;
	v33 =	vld [tilespmem:s1+$0x44C0];
	_ =	sdelay $0x4  }
0x50: {  	[tilespmem:v53+s18+$0x0] =	vst.idx.msk $0xffff, v33  }
0x51: {  	v54 =	vadd.s32 v21, v32;
	v33 =	vld [tilespmem:s1+$0x44D0];
	_ =	sdelay $0x4  }
0x52: {  	[tilespmem:v54+s18+$0x0] =	vst.idx.msk $0xffff, v33  }
0x53: {  	v55 =	vadd.s32 v22, v32;
	v33 =	vld [tilespmem:s1+$0x4B00];
	_ =	sdelay $0x4  }
0x54: {  	[tilespmem:v55+s18+$0x0] =	vst.idx.msk $0xffff, v33  }
0x55: {  	v56 =	vadd.s32 v23, v32;
	v33 =	vld [tilespmem:s1+$0x4B10];
	_ =	sdelay $0x4  }
0x56: {  	[tilespmem:v56+s18+$0x0] =	vst.idx.msk $0xffff, v33  }
0x57: {  	v57 =	vadd.s32 v24, v32;
	v33 =	vld [tilespmem:s1+$0x5140];
	_ =	sdelay $0x4  }
0x58: {  	[tilespmem:v57+s18+$0x0] =	vst.idx.msk $0xffff, v33  }
0x59: {  	v58 =	vadd.s32 v25, v32;
	v33 =	vld [tilespmem:s1+$0x5150];
	_ =	sdelay $0x4  }
0x5a: {  	[tilespmem:v58+s18+$0x0] =	vst.idx.msk $0xffff, v33  }
0x5b: {  	v59 =	vadd.s32 v26, v32;
	v33 =	vld [tilespmem:s1+$0x5780];
	_ =	sdelay $0x4  }
0x5c: {  	[tilespmem:v59+s18+$0x0] =	vst.idx.msk $0xffff, v33  }
0x5d: {  	v60 =	vadd.s32 v27, v32;
	v33 =	vld [tilespmem:s1+$0x5790];
	_ =	sdelay $0x4  }
0x5e: {  	[tilespmem:v60+s18+$0x0] =	vst.idx.msk $0xffff, v33  }
0x5f: {  	v61 =	vadd.s32 v28, v32;
	v33 =	vld [tilespmem:s1+$0x5DC0];
	_ =	sdelay $0x4  }
0x60: {  	[tilespmem:v61+s18+$0x0] =	vst.idx.msk $0xffff, v33  }
0x61: {  	v62 =	vadd.s32 v29, v32;
	v33 =	vld [tilespmem:s1+$0x5DD0];
	_ =	sdelay $0x4  }
0x62: {  	[tilespmem:v62+s18+$0x0] =	vst.idx.msk $0xffff, v33  }
0x63: {  	v63 =	vadd.s32 v30, v32;
	v33 =	vld [tilespmem:s1+$0x6400];
	_ =	sdelay $0x4  }
0x64: {  	[tilespmem:v63+s18+$0x0] =	vst.idx.msk $0xffff, v33  }
0x65: {  	s25 =	sshll.u32 s24, $0x5;
	s28 =	simm.s32 $0x1;
	v34 =	vadd.s32 v31, v32;
	v33 =	vld [tilespmem:s1+$0x6410]  }
0x66: {  	s29 =	simm.s32 $0x80;
	s30 =	simm.s32 $0x100;
	s26 =	sor.u32 s7, s25;
	v32 =	vmov s28  }
.LBB2_3:
0x67: {  	p1 =	sne.s32 s30, $0x1880;
	v32 =	vmul.u32 $0x300, v32;
	_ =	sdelay $0x1  }
0x68: {  	v32 =	vbroadcast v32, $0x0  }
0x69: {  	s31 =	sshra.s32 s29, $0x2;
	s29 =	smov.u32 s30;
	[tilespmem:v34+s18+$0x0] =	vst.idx.msk $0xffff, v33  }
0x6a: {  	v33 =	vld [tilespmem:s31+$0x640];
	v34 =	vadd.s32 v0, v32;
	_ =	sdelay $0x4  }
0x6b: {  	[tilespmem:v34+s18+$0x0] =	vst.idx.msk $0xffff, v33  }
0x6c: {  	v34 =	vadd.s32 v1, v32;
	v33 =	vld [tilespmem:s31+$0x650];
	_ =	sdelay $0x4  }
0x6d: {  	[tilespmem:v34+s18+$0x0] =	vst.idx.msk $0xffff, v33  }
0x6e: {  	v34 =	vadd.s32 v2, v32;
	v33 =	vld [tilespmem:s31+$0xC80];
	_ =	sdelay $0x4  }
0x6f: {  	[tilespmem:v34+s18+$0x0] =	vst.idx.msk $0xffff, v33  }
0x70: {  	v34 =	vadd.s32 v3, v32;
	v33 =	vld [tilespmem:s31+$0xC90];
	_ =	sdelay $0x4  }
0x71: {  	[tilespmem:v34+s18+$0x0] =	vst.idx.msk $0xffff, v33  }
0x72: {  	v34 =	vadd.s32 v4, v32;
	v33 =	vld [tilespmem:s31+$0x12C0];
	_ =	sdelay $0x4  }
0x73: {  	[tilespmem:v34+s18+$0x0] =	vst.idx.msk $0xffff, v33  }
0x74: {  	v34 =	vadd.s32 v5, v32;
	v33 =	vld [tilespmem:s31+$0x12D0];
	_ =	sdelay $0x4  }
0x75: {  	[tilespmem:v34+s18+$0x0] =	vst.idx.msk $0xffff, v33  }
0x76: {  	v34 =	vadd.s32 v6, v32;
	v33 =	vld [tilespmem:s31+$0x1900];
	_ =	sdelay $0x4  }
0x77: {  	[tilespmem:v34+s18+$0x0] =	vst.idx.msk $0xffff, v33  }
0x78: {  	v34 =	vadd.s32 v7, v32;
	v33 =	vld [tilespmem:s31+$0x1910];
	_ =	sdelay $0x4  }
0x79: {  	[tilespmem:v34+s18+$0x0] =	vst.idx.msk $0xffff, v33  }
0x7a: {  	v34 =	vadd.s32 v8, v32;
	v33 =	vld [tilespmem:s31+$0x1F40];
	_ =	sdelay $0x4  }
0x7b: {  	[tilespmem:v34+s18+$0x0] =	vst.idx.msk $0xffff, v33  }
0x7c: {  	v34 =	vadd.s32 v9, v32;
	v33 =	vld [tilespmem:s31+$0x1F50];
	_ =	sdelay $0x4  }
0x7d: {  	[tilespmem:v34+s18+$0x0] =	vst.idx.msk $0xffff, v33  }
0x7e: {  	v34 =	vadd.s32 v10, v32;
	v33 =	vld [tilespmem:s31+$0x2580];
	_ =	sdelay $0x4  }
0x7f: {  	[tilespmem:v34+s18+$0x0] =	vst.idx.msk $0xffff, v33  }
0x80: {  	v34 =	vadd.s32 v11, v32;
	v33 =	vld [tilespmem:s31+$0x2590];
	_ =	sdelay $0x4  }
0x81: {  	[tilespmem:v34+s18+$0x0] =	vst.idx.msk $0xffff, v33  }
0x82: {  	v34 =	vadd.s32 v12, v32;
	v33 =	vld [tilespmem:s31+$0x2BC0];
	_ =	sdelay $0x4  }
0x83: {  	[tilespmem:v34+s18+$0x0] =	vst.idx.msk $0xffff, v33  }
0x84: {  	v34 =	vadd.s32 v13, v32;
	v33 =	vld [tilespmem:s31+$0x2BD0];
	_ =	sdelay $0x4  }
0x85: {  	[tilespmem:v34+s18+$0x0] =	vst.idx.msk $0xffff, v33  }
0x86: {  	v34 =	vadd.s32 v14, v32;
	v33 =	vld [tilespmem:s31+$0x3200];
	_ =	sdelay $0x4  }
0x87: {  	[tilespmem:v34+s18+$0x0] =	vst.idx.msk $0xffff, v33  }
0x88: {  	v34 =	vadd.s32 v15, v32;
	v33 =	vld [tilespmem:s31+$0x3210];
	_ =	sdelay $0x4  }
0x89: {  	[tilespmem:v34+s18+$0x0] =	vst.idx.msk $0xffff, v33  }
0x8a: {  	v34 =	vadd.s32 v16, v32;
	v33 =	vld [tilespmem:s31+$0x3840];
	_ =	sdelay $0x4  }
0x8b: {  	[tilespmem:v34+s18+$0x0] =	vst.idx.msk $0xffff, v33  }
0x8c: {  	v34 =	vadd.s32 v17, v32;
	v33 =	vld [tilespmem:s31+$0x3850];
	_ =	sdelay $0x4  }
0x8d: {  	[tilespmem:v34+s18+$0x0] =	vst.idx.msk $0xffff, v33  }
0x8e: {  	v34 =	vadd.s32 v18, v32;
	v33 =	vld [tilespmem:s31+$0x3E80];
	_ =	sdelay $0x4  }
0x8f: {  	[tilespmem:v34+s18+$0x0] =	vst.idx.msk $0xffff, v33  }
0x90: {  	v34 =	vadd.s32 v19, v32;
	v33 =	vld [tilespmem:s31+$0x3E90];
	_ =	sdelay $0x4  }
0x91: {  	[tilespmem:v34+s18+$0x0] =	vst.idx.msk $0xffff, v33  }
0x92: {  	v34 =	vadd.s32 v20, v32;
	v33 =	vld [tilespmem:s31+$0x44C0];
	_ =	sdelay $0x4  }
0x93: {  	[tilespmem:v34+s18+$0x0] =	vst.idx.msk $0xffff, v33  }
0x94: {  	v34 =	vadd.s32 v21, v32;
	v33 =	vld [tilespmem:s31+$0x44D0];
	_ =	sdelay $0x4  }
0x95: {  	[tilespmem:v34+s18+$0x0] =	vst.idx.msk $0xffff, v33  }
0x96: {  	v34 =	vadd.s32 v22, v32;
	v33 =	vld [tilespmem:s31+$0x4B00];
	_ =	sdelay $0x4  }
0x97: {  	[tilespmem:v34+s18+$0x0] =	vst.idx.msk $0xffff, v33  }
0x98: {  	v34 =	vadd.s32 v23, v32;
	v33 =	vld [tilespmem:s31+$0x4B10];
	_ =	sdelay $0x4  }
0x99: {  	[tilespmem:v34+s18+$0x0] =	vst.idx.msk $0xffff, v33  }
0x9a: {  	v34 =	vadd.s32 v24, v32;
	v33 =	vld [tilespmem:s31+$0x5140];
	_ =	sdelay $0x4  }
0x9b: {  	[tilespmem:v34+s18+$0x0] =	vst.idx.msk $0xffff, v33  }
0x9c: {  	v34 =	vadd.s32 v25, v32;
	v33 =	vld [tilespmem:s31+$0x5150];
	_ =	sdelay $0x4  }
0x9d: {  	[tilespmem:v34+s18+$0x0] =	vst.idx.msk $0xffff, v33  }
0x9e: {  	v34 =	vadd.s32 v26, v32;
	v33 =	vld [tilespmem:s31+$0x5780];
	_ =	sdelay $0x4  }
0x9f: {  	[tilespmem:v34+s18+$0x0] =	vst.idx.msk $0xffff, v33  }
0xa0: {  	v34 =	vadd.s32 v27, v32;
	v33 =	vld [tilespmem:s31+$0x5790];
	_ =	sdelay $0x4  }
0xa1: {  	[tilespmem:v34+s18+$0x0] =	vst.idx.msk $0xffff, v33  }
0xa2: {  	v34 =	vadd.s32 v28, v32;
	v33 =	vld [tilespmem:s31+$0x5DC0];
	_ =	sdelay $0x4  }
0xa3: {  	[tilespmem:v34+s18+$0x0] =	vst.idx.msk $0xffff, v33  }
0xa4: {  	v34 =	vadd.s32 v29, v32;
	v33 =	vld [tilespmem:s31+$0x5DD0];
	_ =	sdelay $0x4  }
0xa5: {  	[tilespmem:v34+s18+$0x0] =	vst.idx.msk $0xffff, v33  }
0xa6: {  	v34 =	vadd.s32 v30, v32;
	v33 =	vld [tilespmem:s31+$0x6400];
	_ =	sdelay $0x2  }
.Ltmp2:
0xa7: {  	(pc) =	sbr.rel @p1 .LBB2_3-.Ltmp2, $4  }
0xa8: {  	_ = 	snop  }
0xa9: {  	[tilespmem:v34+s18+$0x0] =	vst.idx.msk $0xffff, v33  }
0xaa: {  	s28 =	sadd.s32 $0x1, s28;
	v34 =	vadd.s32 v31, v32;
	v33 =	vld [tilespmem:s31+$0x6410]  }
0xab: {  	s30 =	sadd.s32 $0x80, s30;
	v32 =	vmov s28  }
0xac: {  	_ = 	snop  }
0xad: {  	v32 =	vmul.u32 $0x300, v32;
	_ =	sdelay $0x1  }
0xae: {  	v32 =	vbroadcast v32, $0x0  }
0xaf: {  	s1 =	sshra.s32 s29, $0x2;
	[tilespmem:v34+s18+$0x0] =	vst.idx.msk $0xffff, v33  }
0xb0: {  	v33 =	vld [tilespmem:s1+$0x640];
	v61 =	vadd.s32 v0, v32;
	_ =	sdelay $0x4  }
0xb1: {  	[tilespmem:v61+s18+$0x0] =	vst.idx.msk $0xffff, v33  }
0xb2: {  	v62 =	vadd.s32 v1, v32;
	v33 =	vld [tilespmem:s1+$0x650];
	_ =	sdelay $0x4  }
0xb3: {  	[tilespmem:v62+s18+$0x0] =	vst.idx.msk $0xffff, v33  }
0xb4: {  	v63 =	vadd.s32 v2, v32;
	v33 =	vld [tilespmem:s1+$0xC80];
	_ =	sdelay $0x4  }
0xb5: {  	[tilespmem:v63+s18+$0x0] =	vst.idx.msk $0xffff, v33  }
0xb6: {  	v36 =	vadd.s32 v3, v32;
	v33 =	vld [tilespmem:s1+$0xC90];
	_ =	sdelay $0x4  }
0xb7: {  	[tilespmem:v36+s18+$0x0] =	vst.idx.msk $0xffff, v33  }
0xb8: {  	v37 =	vadd.s32 v4, v32;
	v33 =	vld [tilespmem:s1+$0x12C0];
	_ =	sdelay $0x4  }
0xb9: {  	[tilespmem:v37+s18+$0x0] =	vst.idx.msk $0xffff, v33  }
0xba: {  	v38 =	vadd.s32 v5, v32;
	v33 =	vld [tilespmem:s1+$0x12D0];
	_ =	sdelay $0x4  }
0xbb: {  	[tilespmem:v38+s18+$0x0] =	vst.idx.msk $0xffff, v33  }
0xbc: {  	v39 =	vadd.s32 v6, v32;
	v33 =	vld [tilespmem:s1+$0x1900];
	_ =	sdelay $0x4  }
0xbd: {  	[tilespmem:v39+s18+$0x0] =	vst.idx.msk $0xffff, v33  }
0xbe: {  	v40 =	vadd.s32 v7, v32;
	v33 =	vld [tilespmem:s1+$0x1910];
	_ =	sdelay $0x4  }
0xbf: {  	[tilespmem:v40+s18+$0x0] =	vst.idx.msk $0xffff, v33  }
0xc0: {  	v41 =	vadd.s32 v8, v32;
	v33 =	vld [tilespmem:s1+$0x1F40];
	_ =	sdelay $0x4  }
0xc1: {  	[tilespmem:v41+s18+$0x0] =	vst.idx.msk $0xffff, v33  }
0xc2: {  	v42 =	vadd.s32 v9, v32;
	v33 =	vld [tilespmem:s1+$0x1F50];
	_ =	sdelay $0x4  }
0xc3: {  	[tilespmem:v42+s18+$0x0] =	vst.idx.msk $0xffff, v33  }
0xc4: {  	v43 =	vadd.s32 v10, v32;
	v33 =	vld [tilespmem:s1+$0x2580];
	_ =	sdelay $0x4  }
0xc5: {  	[tilespmem:v43+s18+$0x0] =	vst.idx.msk $0xffff, v33  }
0xc6: {  	v44 =	vadd.s32 v11, v32;
	v33 =	vld [tilespmem:s1+$0x2590];
	_ =	sdelay $0x4  }
0xc7: {  	[tilespmem:v44+s18+$0x0] =	vst.idx.msk $0xffff, v33  }
0xc8: {  	v45 =	vadd.s32 v12, v32;
	v33 =	vld [tilespmem:s1+$0x2BC0];
	_ =	sdelay $0x4  }
0xc9: {  	[tilespmem:v45+s18+$0x0] =	vst.idx.msk $0xffff, v33  }
0xca: {  	v46 =	vadd.s32 v13, v32;
	v33 =	vld [tilespmem:s1+$0x2BD0];
	_ =	sdelay $0x4  }
0xcb: {  	[tilespmem:v46+s18+$0x0] =	vst.idx.msk $0xffff, v33  }
0xcc: {  	v47 =	vadd.s32 v14, v32;
	v33 =	vld [tilespmem:s1+$0x3200];
	_ =	sdelay $0x4  }
0xcd: {  	[tilespmem:v47+s18+$0x0] =	vst.idx.msk $0xffff, v33  }
0xce: {  	v48 =	vadd.s32 v15, v32;
	v33 =	vld [tilespmem:s1+$0x3210];
	_ =	sdelay $0x4  }
0xcf: {  	[tilespmem:v48+s18+$0x0] =	vst.idx.msk $0xffff, v33  }
0xd0: {  	v49 =	vadd.s32 v16, v32;
	v33 =	vld [tilespmem:s1+$0x3840];
	_ =	sdelay $0x4  }
0xd1: {  	[tilespmem:v49+s18+$0x0] =	vst.idx.msk $0xffff, v33  }
0xd2: {  	v50 =	vadd.s32 v17, v32;
	v33 =	vld [tilespmem:s1+$0x3850];
	_ =	sdelay $0x4  }
0xd3: {  	[tilespmem:v50+s18+$0x0] =	vst.idx.msk $0xffff, v33  }
0xd4: {  	v51 =	vadd.s32 v18, v32;
	v33 =	vld [tilespmem:s1+$0x3E80];
	_ =	sdelay $0x4  }
0xd5: {  	[tilespmem:v51+s18+$0x0] =	vst.idx.msk $0xffff, v33  }
0xd6: {  	v52 =	vadd.s32 v19, v32;
	v33 =	vld [tilespmem:s1+$0x3E90];
	_ =	sdelay $0x4  }
0xd7: {  	[tilespmem:v52+s18+$0x0] =	vst.idx.msk $0xffff, v33  }
0xd8: {  	v53 =	vadd.s32 v20, v32;
	v33 =	vld [tilespmem:s1+$0x44C0];
	_ =	sdelay $0x4  }
0xd9: {  	[tilespmem:v53+s18+$0x0] =	vst.idx.msk $0xffff, v33  }
0xda: {  	v54 =	vadd.s32 v21, v32;
	v33 =	vld [tilespmem:s1+$0x44D0];
	_ =	sdelay $0x4  }
0xdb: {  	[tilespmem:v54+s18+$0x0] =	vst.idx.msk $0xffff, v33  }
0xdc: {  	v55 =	vadd.s32 v22, v32;
	v33 =	vld [tilespmem:s1+$0x4B00];
	_ =	sdelay $0x4  }
0xdd: {  	[tilespmem:v55+s18+$0x0] =	vst.idx.msk $0xffff, v33  }
0xde: {  	v56 =	vadd.s32 v23, v32;
	v33 =	vld [tilespmem:s1+$0x4B10];
	_ =	sdelay $0x4  }
0xdf: {  	[tilespmem:v56+s18+$0x0] =	vst.idx.msk $0xffff, v33  }
0xe0: {  	v57 =	vadd.s32 v24, v32;
	v33 =	vld [tilespmem:s1+$0x5140];
	_ =	sdelay $0x4  }
0xe1: {  	[tilespmem:v57+s18+$0x0] =	vst.idx.msk $0xffff, v33  }
0xe2: {  	v58 =	vadd.s32 v25, v32;
	v33 =	vld [tilespmem:s1+$0x5150];
	_ =	sdelay $0x4  }
0xe3: {  	[tilespmem:v58+s18+$0x0] =	vst.idx.msk $0xffff, v33  }
0xe4: {  	v59 =	vadd.s32 v26, v32;
	v33 =	vld [tilespmem:s1+$0x5780];
	_ =	sdelay $0x4  }
0xe5: {  	[tilespmem:v59+s18+$0x0] =	vst.idx.msk $0xffff, v33  }
0xe6: {  	v60 =	vadd.s32 v27, v32;
	v33 =	vld [tilespmem:s1+$0x5790];
	_ =	sdelay $0x4  }
0xe7: {  	[tilespmem:v60+s18+$0x0] =	vst.idx.msk $0xffff, v33  }
0xe8: {  	v61 =	vadd.s32 v28, v32;
	v33 =	vld [tilespmem:s1+$0x5DC0];
	_ =	sdelay $0x4  }
0xe9: {  	[tilespmem:v61+s18+$0x0] =	vst.idx.msk $0xffff, v33  }
0xea: {  	v62 =	vadd.s32 v29, v32;
	v33 =	vld [tilespmem:s1+$0x5DD0];
	_ =	sdelay $0x4  }
0xeb: {  	[tilespmem:v62+s18+$0x0] =	vst.idx.msk $0xffff, v33  }
0xec: {  	v63 =	vadd.s32 v30, v32;
	v33 =	vld [tilespmem:s1+$0x6400];
	_ =	sdelay $0x1  }
0xed: {  	s28 =	sand.u32 $0x60, s25  }
0xee: {  	p1 =	seq.s32 s26, $0x0;
	p2 =	sne.s32 s28, $0x0  }
0xef: {  	p1 =	por !p1, !p2  }
0xf0: {  	s0 =	simm.s32 $0x1;
	p1 =	por !p1, !p1;
	[tilespmem:v63+s18+$0x0] =	vst.idx.msk $0xffff, v33  }
0xf1: {  	s8 =	sshrl.u32 s26, $0x7;
	s0 =	simm.s32 @!p1 $0x0;
	v32 =	vadd.s32 v31, v32;
	v33 =	vld [tilespmem:s1+$0x6410]  }
0xf2: {  	s0 =	ssub.s32 s8, s0  }
0xf3: {  	s0 =	sshll.u32 s0, $0xA  }
0xf4: {  	s0 =	sor.u32 s28, s0  }
0xf5: {  	s0 =	sshrl.u32 s0, $0x3  }
0xf6: {  	s8 =	simm.s32 $0xCE40;
	s29 =	sadd.s32 s2, s0;
	[tilespmem:v32+s18+$0x0] =	vst.idx.msk $0xffff, v33  }
0xf7: {  	[hbm4b:s29+s3] =	stream.linear.scatter [tilespmem:s8], [sflag:$0x5], $0x10, $0x38;
	[tilespmem:$0x1FA40] =	vst v63  }
0xf8: {  	s1 =	simm.s32 $0xCE58;
	s8 =	sadd.s32 $0x10, s29  }
0xf9: {  	[hbm4b:s8+s3] =	stream.linear.scatter [tilespmem:s1], [sflag:$0x5], $0x10, $0x38;
	[tilespmem:$0x1FA40] =	vst v63  }
0xfa: {  	s1 =	simm.s32 $0xCE70;
	s8 =	sadd.s32 $0x20, s29  }
0xfb: {  	[hbm4b:s8+s3] =	stream.linear.scatter [tilespmem:s1], [sflag:$0x5], $0x10, $0x38;
	[tilespmem:$0x1FA40] =	vst v63  }
0xfc: {  	s1 =	simm.s32 $0xCE88;
	s8 =	sadd.s32 $0x30, s29  }
0xfd: {  	[hbm4b:s8+s3] =	stream.linear.scatter [tilespmem:s1], [sflag:$0x5], $0x10, $0x38;
	[tilespmem:$0x1FA40] =	vst v63  }
0xfe: {  	s1 =	simm.s32 $0xCEA0;
	s8 =	sadd.s32 $0x40, s29  }
0xff: {  	[hbm4b:s8+s3] =	stream.linear.scatter [tilespmem:s1], [sflag:$0x5], $0x10, $0x38;
	[tilespmem:$0x1FA40] =	vst v63  }
0x100: {  	s30 =	simm.s32 $0x600;
	s1 =	simm.s32 $0xCEB8;
	s8 =	sadd.s32 $0x50, s29  }
0x101: {  	[hbm4b:s8+s3] =	stream.linear.scatter [tilespmem:s1], [sflag:$0x5], $0x10, $0x38;
	[tilespmem:$0x1FA40] =	vst v63  }
0x102: {  	s31 =	simm.s32 $0xCEE8;
	s1 =	simm.s32 $0xCED0;
	s8 =	sadd.s32 $0x60, s29  }
0x103: {  	[hbm4b:s8+s3] =	stream.linear.scatter [tilespmem:s1], [sflag:$0x5], $0x10, $0x38;
	[tilespmem:$0x1FA40] =	vst v63  }
0x104: {  	s0 =	sadd.s32 $0x70, s29;
	s29 =	sadd.s32 $0x4000, s29;
	s1 =	simm.s32 $0xC0  }
.LBB2_5:
0x105: {  	[hbm4b:s0+s3] =	stream.linear.scatter [tilespmem:s31], [sflag:$0x5], $0x10, $0x38;
	[tilespmem:$0x1FA40] =	vst v63  }
0x106: {  	s0 =	smov.u32 s1;
	s1 =	smov.u32 s30  }
0x107: {  	s8 =	sadd.s32 $0x300, s30;
	s1 =	sshra.s32 s1, $0x2;
	s31 =	sadd.s32 $0xCE40, s0  }
0x108: {  	[hbm4b:s29+s3] =	stream.linear.scatter [tilespmem:s31], [sflag:$0x5], $0x10, $0x38;
	[tilespmem:$0x1FA40] =	vst v63  }
0x109: {  	p1 =	sne.s32 s30, $0x25500;
	s30 =	sadd.s32 $0xCE58, s0;
	s31 =	sadd.s32 $0x10, s29  }
0x10a: {  	[hbm4b:s31+s3] =	stream.linear.scatter [tilespmem:s30], [sflag:$0x5], $0x10, $0x38;
	[tilespmem:$0x1FA40] =	vst v63  }
0x10b: {  	s30 =	sadd.s32 $0xCE70, s0;
	s31 =	sadd.s32 $0x20, s29  }
0x10c: {  	[hbm4b:s31+s3] =	stream.linear.scatter [tilespmem:s30], [sflag:$0x5], $0x10, $0x38;
	[tilespmem:$0x1FA40] =	vst v63  }
0x10d: {  	s30 =	sadd.s32 $0xCE88, s0;
	s31 =	sadd.s32 $0x30, s29  }
0x10e: {  	[hbm4b:s31+s3] =	stream.linear.scatter [tilespmem:s30], [sflag:$0x5], $0x10, $0x38;
	[tilespmem:$0x1FA40] =	vst v63  }
0x10f: {  	s30 =	sadd.s32 $0xCEA0, s0;
	s31 =	sadd.s32 $0x40, s29  }
0x110: {  	[hbm4b:s31+s3] =	stream.linear.scatter [tilespmem:s30], [sflag:$0x5], $0x10, $0x38;
	[tilespmem:$0x1FA40] =	vst v63  }
0x111: {  	s30 =	sadd.s32 $0xCEB8, s0;
	s31 =	sadd.s32 $0x50, s29  }
0x112: {  	[hbm4b:s31+s3] =	stream.linear.scatter [tilespmem:s30], [sflag:$0x5], $0x10, $0x38;
	[tilespmem:$0x1FA40] =	vst v63  }
.Ltmp3:
0x113: {  	_ = 	snop;
	(pc) =	sbr.rel @p1 .LBB2_5-.Ltmp3, $4  }
0x114: {  	s30 =	sadd.s32 $0xCED0, s0;
	s31 =	sadd.s32 $0x60, s29  }
0x115: {  	[hbm4b:s31+s3] =	stream.linear.scatter [tilespmem:s30], [sflag:$0x5], $0x10, $0x38;
	[tilespmem:$0x1FA40] =	vst v63  }
0x116: {  	s31 =	sadd.s32 $0xCEE8, s0  }
0x117: {  	s0 =	sadd.s32 $0x70, s29;
	s29 =	sadd.s32 $0x4000, s29;
	s30 =	smov.u32 s8  }
0x118: {  	[hbm4b:s0+s3] =	stream.linear.scatter [tilespmem:s31], [sflag:$0x5], $0x10, $0x38;
	[tilespmem:$0x1FA40] =	vst v63  }
0x119: {  	s30 =	sadd.s32 $0xCE40, s1  }
0x11a: {  	[hbm4b:s29+s3] =	stream.linear.scatter [tilespmem:s30], [sflag:$0x5], $0x10, $0x38;
	[tilespmem:$0x1FA40] =	vst v63  }
0x11b: {  	s31 =	sadd.s32 $0xCE58, s1;
	s8 =	sadd.s32 $0x10, s29  }
0x11c: {  	[hbm4b:s8+s3] =	stream.linear.scatter [tilespmem:s31], [sflag:$0x5], $0x10, $0x38;
	[tilespmem:$0x1FA40] =	vst v63  }
0x11d: {  	s30 =	sadd.s32 $0xCE70, s1;
	s31 =	sadd.s32 $0x20, s29  }
0x11e: {  	[hbm4b:s31+s3] =	stream.linear.scatter [tilespmem:s30], [sflag:$0x5], $0x10, $0x38;
	[tilespmem:$0x1FA40] =	vst v63  }
0x11f: {  	s30 =	sadd.s32 $0xCE88, s1;
	s31 =	sadd.s32 $0x30, s29  }
0x120: {  	[hbm4b:s31+s3] =	stream.linear.scatter [tilespmem:s30], [sflag:$0x5], $0x10, $0x38;
	[tilespmem:$0x1FA40] =	vst v63  }
0x121: {  	s30 =	sadd.s32 $0xCEA0, s1;
	s31 =	sadd.s32 $0x40, s29  }
0x122: {  	[hbm4b:s31+s3] =	stream.linear.scatter [tilespmem:s30], [sflag:$0x5], $0x10, $0x38;
	[tilespmem:$0x1FA40] =	vst v63  }
0x123: {  	p1 =	sne.s32 s24, $0xF;
	s30 =	sadd.s32 $0xCEB8, s1;
	s31 =	sadd.s32 $0x50, s29  }
0x124: {  	[hbm4b:s31+s3] =	stream.linear.scatter [tilespmem:s30], [sflag:$0x5], $0x10, $0x38;
	[tilespmem:$0x1FA40] =	vst v63  }
.Ltmp4:
0x125: {  	_ = 	snop;
	(pc) =	sbr.rel @p1 .LBB2_8-.Ltmp4, $4  }
0x126: {  	s30 =	sadd.s32 $0xCED0, s1;
	s31 =	sadd.s32 $0x60, s29  }
0x127: {  	[hbm4b:s31+s3] =	stream.linear.scatter [tilespmem:s30], [sflag:$0x5], $0x10, $0x38;
	[tilespmem:$0x1FA40] =	vst v63  }
0x128: {  	s30 =	sadd.s32 $0xCEE8, s1;
	s31 =	sadd.s32 $0x70, s29  }
0x129: {  	[hbm4b:s31+s3] =	stream.linear.scatter [tilespmem:s30], [sflag:$0x5], $0x10, $0x38;
	[tilespmem:$0x1FA40] =	vst v63  }
.Ltmp5:
0x12a: {  	(pc) =	sbr.rel .LBB2_9-.Ltmp5, $4  }
0x12b: {  	_ = 	snop  }
0x12c: {  	_ =	swait.ge [sflag:s19], $0x6400  }
0x12d: {  	[sflag:s19] =	ssyncset.done $0x0  }
0x12e: {  	[sflag:s19] =	ssyncadd.s32 $0xFFFF9C00  }
.LBB2_8:
0x12f: {  	s0 =	sadd.s32 s25, s9  }
0x130: {  	s0 =	smul.u32 $0x32, s0;
	_ =	sdelay $0x1  }
0x131: {  	s0 =	sshrl.u32 s0, $0x3  }
0x132: {  	s0 =	sadd.s32 s4, s0  }
0x133: {  	[tilespmem:s3], [sflag:$0x1] =	stream.linear.gather [hbm4b:s0+s3], $0x320, $0x38;
	[tilespmem:$0x1FA40] =	vst v63  }
0x134: {  	_ =	swait.ge [sflag:s13], $0x320  }
0x135: {  	[sflag:s13] =	ssyncset.done $0x0  }
.Ltmp6:
0x136: {  	[sflag:s13] =	ssyncadd.s32 $0xFFFFFCE0;
	(pc) =	sbr.rel @p0 .LBB2_10-.Ltmp6, $4  }
0x137: {  	[tilespmem:s14], [sflag:$0x3] =	stream.indirect.gather [hbm4b:s5+s12], $0x20, s3, s12, $0xb8;
	[tilespmem:$0x1FA40] =	vst v63  }
0x138: {  	_ =	swait.ge [sflag:s19], $0x6400  }
0x139: {  	[sflag:s19] =	ssyncset.done $0x0  }
0x13a: {  	[sflag:s19] =	ssyncadd.s32 $0xFFFF9C00  }
.LBB2_9:
0x13b: {  	_ =	swait.ge [sflag:s20], $0x6400  }
0x13c: {  	[sflag:s20] =	ssyncset.done $0x0  }
0x13d: {  	[sflag:s20] =	ssyncadd.s32 $0xFFFF9C00  }
.LBB2_10:
0x13e: {  	s0 =	simm.s32 $0x0  }
0x13f: {  	v32 =	vmov s0  }
0x140: {  	v32 =	vmul.u32 $0x300, v32;
	_ =	sdelay $0x1  }
0x141: {  	v32 =	vbroadcast v32, $0x0  }
0x142: {  	s1 =	simm.s32 $0x0  }
0x143: {  	v33 =	vld [tilespmem:s1+$0x6A40];
	v34 =	vadd.s32 v0, v32;
	_ =	sdelay $0x4  }
0x144: {  	[tilespmem:v34+s21+$0x0] =	vst.idx.msk $0xffff, v33  }
0x145: {  	v62 =	vadd.s32 v1, v32;
	v33 =	vld [tilespmem:s1+$0x6A50];
	_ =	sdelay $0x4  }
0x146: {  	[tilespmem:v62+s21+$0x0] =	vst.idx.msk $0xffff, v33  }
0x147: {  	v63 =	vadd.s32 v2, v32;
	v33 =	vld [tilespmem:s1+$0x7080];
	_ =	sdelay $0x4  }
0x148: {  	[tilespmem:v63+s21+$0x0] =	vst.idx.msk $0xffff, v33  }
0x149: {  	v36 =	vadd.s32 v3, v32;
	v33 =	vld [tilespmem:s1+$0x7090];
	_ =	sdelay $0x4  }
0x14a: {  	[tilespmem:v36+s21+$0x0] =	vst.idx.msk $0xffff, v33  }
0x14b: {  	v37 =	vadd.s32 v4, v32;
	v33 =	vld [tilespmem:s1+$0x76C0];
	_ =	sdelay $0x4  }
0x14c: {  	[tilespmem:v37+s21+$0x0] =	vst.idx.msk $0xffff, v33  }
0x14d: {  	v38 =	vadd.s32 v5, v32;
	v33 =	vld [tilespmem:s1+$0x76D0];
	_ =	sdelay $0x4  }
0x14e: {  	[tilespmem:v38+s21+$0x0] =	vst.idx.msk $0xffff, v33  }
0x14f: {  	v39 =	vadd.s32 v6, v32;
	v33 =	vld [tilespmem:s1+$0x7D00];
	_ =	sdelay $0x4  }
0x150: {  	[tilespmem:v39+s21+$0x0] =	vst.idx.msk $0xffff, v33  }
0x151: {  	v40 =	vadd.s32 v7, v32;
	v33 =	vld [tilespmem:s1+$0x7D10];
	_ =	sdelay $0x4  }
0x152: {  	[tilespmem:v40+s21+$0x0] =	vst.idx.msk $0xffff, v33  }
0x153: {  	v41 =	vadd.s32 v8, v32;
	v33 =	vld [tilespmem:s1+$0x8340];
	_ =	sdelay $0x4  }
0x154: {  	[tilespmem:v41+s21+$0x0] =	vst.idx.msk $0xffff, v33  }
0x155: {  	v42 =	vadd.s32 v9, v32;
	v33 =	vld [tilespmem:s1+$0x8350];
	_ =	sdelay $0x4  }
0x156: {  	[tilespmem:v42+s21+$0x0] =	vst.idx.msk $0xffff, v33  }
0x157: {  	v43 =	vadd.s32 v10, v32;
	v33 =	vld [tilespmem:s1+$0x8980];
	_ =	sdelay $0x4  }
0x158: {  	[tilespmem:v43+s21+$0x0] =	vst.idx.msk $0xffff, v33  }
0x159: {  	v44 =	vadd.s32 v11, v32;
	v33 =	vld [tilespmem:s1+$0x8990];
	_ =	sdelay $0x4  }
0x15a: {  	[tilespmem:v44+s21+$0x0] =	vst.idx.msk $0xffff, v33  }
0x15b: {  	v45 =	vadd.s32 v12, v32;
	v33 =	vld [tilespmem:s1+$0x8FC0];
	_ =	sdelay $0x4  }
0x15c: {  	[tilespmem:v45+s21+$0x0] =	vst.idx.msk $0xffff, v33  }
0x15d: {  	v46 =	vadd.s32 v13, v32;
	v33 =	vld [tilespmem:s1+$0x8FD0];
	_ =	sdelay $0x4  }
0x15e: {  	[tilespmem:v46+s21+$0x0] =	vst.idx.msk $0xffff, v33  }
0x15f: {  	v47 =	vadd.s32 v14, v32;
	v33 =	vld [tilespmem:s1+$0x9600];
	_ =	sdelay $0x4  }
0x160: {  	[tilespmem:v47+s21+$0x0] =	vst.idx.msk $0xffff, v33  }
0x161: {  	v48 =	vadd.s32 v15, v32;
	v33 =	vld [tilespmem:s1+$0x9610];
	_ =	sdelay $0x4  }
0x162: {  	[tilespmem:v48+s21+$0x0] =	vst.idx.msk $0xffff, v33  }
0x163: {  	v49 =	vadd.s32 v16, v32;
	v33 =	vld [tilespmem:s1+$0x9C40];
	_ =	sdelay $0x4  }
0x164: {  	[tilespmem:v49+s21+$0x0] =	vst.idx.msk $0xffff, v33  }
0x165: {  	v50 =	vadd.s32 v17, v32;
	v33 =	vld [tilespmem:s1+$0x9C50];
	_ =	sdelay $0x4  }
0x166: {  	[tilespmem:v50+s21+$0x0] =	vst.idx.msk $0xffff, v33  }
0x167: {  	v51 =	vadd.s32 v18, v32;
	v33 =	vld [tilespmem:s1+$0xA280];
	_ =	sdelay $0x4  }
0x168: {  	[tilespmem:v51+s21+$0x0] =	vst.idx.msk $0xffff, v33  }
0x169: {  	v52 =	vadd.s32 v19, v32;
	v33 =	vld [tilespmem:s1+$0xA290];
	_ =	sdelay $0x4  }
0x16a: {  	[tilespmem:v52+s21+$0x0] =	vst.idx.msk $0xffff, v33  }
0x16b: {  	v53 =	vadd.s32 v20, v32;
	v33 =	vld [tilespmem:s1+$0xA8C0];
	_ =	sdelay $0x4  }
0x16c: {  	[tilespmem:v53+s21+$0x0] =	vst.idx.msk $0xffff, v33  }
0x16d: {  	v54 =	vadd.s32 v21, v32;
	v33 =	vld [tilespmem:s1+$0xA8D0];
	_ =	sdelay $0x4  }
0x16e: {  	[tilespmem:v54+s21+$0x0] =	vst.idx.msk $0xffff, v33  }
0x16f: {  	v55 =	vadd.s32 v22, v32;
	v33 =	vld [tilespmem:s1+$0xAF00];
	_ =	sdelay $0x4  }
0x170: {  	[tilespmem:v55+s21+$0x0] =	vst.idx.msk $0xffff, v33  }
0x171: {  	v56 =	vadd.s32 v23, v32;
	v33 =	vld [tilespmem:s1+$0xAF10];
	_ =	sdelay $0x4  }
0x172: {  	[tilespmem:v56+s21+$0x0] =	vst.idx.msk $0xffff, v33  }
0x173: {  	v57 =	vadd.s32 v24, v32;
	v33 =	vld [tilespmem:s1+$0xB540];
	_ =	sdelay $0x4  }
0x174: {  	[tilespmem:v57+s21+$0x0] =	vst.idx.msk $0xffff, v33  }
0x175: {  	v58 =	vadd.s32 v25, v32;
	v33 =	vld [tilespmem:s1+$0xB550];
	_ =	sdelay $0x4  }
0x176: {  	[tilespmem:v58+s21+$0x0] =	vst.idx.msk $0xffff, v33  }
0x177: {  	v59 =	vadd.s32 v26, v32;
	v33 =	vld [tilespmem:s1+$0xBB80];
	_ =	sdelay $0x4  }
0x178: {  	[tilespmem:v59+s21+$0x0] =	vst.idx.msk $0xffff, v33  }
0x179: {  	v60 =	vadd.s32 v27, v32;
	v33 =	vld [tilespmem:s1+$0xBB90];
	_ =	sdelay $0x4  }
0x17a: {  	[tilespmem:v60+s21+$0x0] =	vst.idx.msk $0xffff, v33  }
0x17b: {  	v61 =	vadd.s32 v28, v32;
	v33 =	vld [tilespmem:s1+$0xC1C0];
	_ =	sdelay $0x4  }
0x17c: {  	[tilespmem:v61+s21+$0x0] =	vst.idx.msk $0xffff, v33  }
0x17d: {  	v62 =	vadd.s32 v29, v32;
	v33 =	vld [tilespmem:s1+$0xC1D0];
	_ =	sdelay $0x4  }
0x17e: {  	[tilespmem:v62+s21+$0x0] =	vst.idx.msk $0xffff, v33  }
0x17f: {  	v63 =	vadd.s32 v30, v32;
	v33 =	vld [tilespmem:s1+$0xC800];
	_ =	sdelay $0x4  }
0x180: {  	[tilespmem:v63+s21+$0x0] =	vst.idx.msk $0xffff, v33  }
0x181: {  	s30 =	simm.s32 $0x1;
	v34 =	vadd.s32 v31, v32;
	v33 =	vld [tilespmem:s1+$0xC810]  }
0x182: {  	s29 =	simm.s32 $0x80;
	s31 =	simm.s32 $0x100;
	v32 =	vmov s30  }
.LBB2_11:
0x183: {  	p0 =	sne.s32 s31, $0x1880;
	v32 =	vmul.u32 $0x300, v32;
	_ =	sdelay $0x1  }
0x184: {  	v32 =	vbroadcast v32, $0x0  }
0x185: {  	s1 =	sshra.s32 s29, $0x2;
	s29 =	smov.u32 s31;
	[tilespmem:v34+s21+$0x0] =	vst.idx.msk $0xffff, v33  }
0x186: {  	v33 =	vld [tilespmem:s1+$0x6A40];
	v34 =	vadd.s32 v0, v32;
	_ =	sdelay $0x4  }
0x187: {  	[tilespmem:v34+s21+$0x0] =	vst.idx.msk $0xffff, v33  }
0x188: {  	v34 =	vadd.s32 v1, v32;
	v33 =	vld [tilespmem:s1+$0x6A50];
	_ =	sdelay $0x4  }
0x189: {  	[tilespmem:v34+s21+$0x0] =	vst.idx.msk $0xffff, v33  }
0x18a: {  	v34 =	vadd.s32 v2, v32;
	v33 =	vld [tilespmem:s1+$0x7080];
	_ =	sdelay $0x4  }
0x18b: {  	[tilespmem:v34+s21+$0x0] =	vst.idx.msk $0xffff, v33  }
0x18c: {  	v34 =	vadd.s32 v3, v32;
	v33 =	vld [tilespmem:s1+$0x7090];
	_ =	sdelay $0x4  }
0x18d: {  	[tilespmem:v34+s21+$0x0] =	vst.idx.msk $0xffff, v33  }
0x18e: {  	v34 =	vadd.s32 v4, v32;
	v33 =	vld [tilespmem:s1+$0x76C0];
	_ =	sdelay $0x4  }
0x18f: {  	[tilespmem:v34+s21+$0x0] =	vst.idx.msk $0xffff, v33  }
0x190: {  	v34 =	vadd.s32 v5, v32;
	v33 =	vld [tilespmem:s1+$0x76D0];
	_ =	sdelay $0x4  }
0x191: {  	[tilespmem:v34+s21+$0x0] =	vst.idx.msk $0xffff, v33  }
0x192: {  	v34 =	vadd.s32 v6, v32;
	v33 =	vld [tilespmem:s1+$0x7D00];
	_ =	sdelay $0x4  }
0x193: {  	[tilespmem:v34+s21+$0x0] =	vst.idx.msk $0xffff, v33  }
0x194: {  	v34 =	vadd.s32 v7, v32;
	v33 =	vld [tilespmem:s1+$0x7D10];
	_ =	sdelay $0x4  }
0x195: {  	[tilespmem:v34+s21+$0x0] =	vst.idx.msk $0xffff, v33  }
0x196: {  	v34 =	vadd.s32 v8, v32;
	v33 =	vld [tilespmem:s1+$0x8340];
	_ =	sdelay $0x4  }
0x197: {  	[tilespmem:v34+s21+$0x0] =	vst.idx.msk $0xffff, v33  }
0x198: {  	v34 =	vadd.s32 v9, v32;
	v33 =	vld [tilespmem:s1+$0x8350];
	_ =	sdelay $0x4  }
0x199: {  	[tilespmem:v34+s21+$0x0] =	vst.idx.msk $0xffff, v33  }
0x19a: {  	v34 =	vadd.s32 v10, v32;
	v33 =	vld [tilespmem:s1+$0x8980];
	_ =	sdelay $0x4  }
0x19b: {  	[tilespmem:v34+s21+$0x0] =	vst.idx.msk $0xffff, v33  }
0x19c: {  	v34 =	vadd.s32 v11, v32;
	v33 =	vld [tilespmem:s1+$0x8990];
	_ =	sdelay $0x4  }
0x19d: {  	[tilespmem:v34+s21+$0x0] =	vst.idx.msk $0xffff, v33  }
0x19e: {  	v34 =	vadd.s32 v12, v32;
	v33 =	vld [tilespmem:s1+$0x8FC0];
	_ =	sdelay $0x4  }
0x19f: {  	[tilespmem:v34+s21+$0x0] =	vst.idx.msk $0xffff, v33  }
0x1a0: {  	v34 =	vadd.s32 v13, v32;
	v33 =	vld [tilespmem:s1+$0x8FD0];
	_ =	sdelay $0x4  }
0x1a1: {  	[tilespmem:v34+s21+$0x0] =	vst.idx.msk $0xffff, v33  }
0x1a2: {  	v34 =	vadd.s32 v14, v32;
	v33 =	vld [tilespmem:s1+$0x9600];
	_ =	sdelay $0x4  }
0x1a3: {  	[tilespmem:v34+s21+$0x0] =	vst.idx.msk $0xffff, v33  }
0x1a4: {  	v34 =	vadd.s32 v15, v32;
	v33 =	vld [tilespmem:s1+$0x9610];
	_ =	sdelay $0x4  }
0x1a5: {  	[tilespmem:v34+s21+$0x0] =	vst.idx.msk $0xffff, v33  }
0x1a6: {  	v34 =	vadd.s32 v16, v32;
	v33 =	vld [tilespmem:s1+$0x9C40];
	_ =	sdelay $0x4  }
0x1a7: {  	[tilespmem:v34+s21+$0x0] =	vst.idx.msk $0xffff, v33  }
0x1a8: {  	v34 =	vadd.s32 v17, v32;
	v33 =	vld [tilespmem:s1+$0x9C50];
	_ =	sdelay $0x4  }
0x1a9: {  	[tilespmem:v34+s21+$0x0] =	vst.idx.msk $0xffff, v33  }
0x1aa: {  	v34 =	vadd.s32 v18, v32;
	v33 =	vld [tilespmem:s1+$0xA280];
	_ =	sdelay $0x4  }
0x1ab: {  	[tilespmem:v34+s21+$0x0] =	vst.idx.msk $0xffff, v33  }
0x1ac: {  	v34 =	vadd.s32 v19, v32;
	v33 =	vld [tilespmem:s1+$0xA290];
	_ =	sdelay $0x4  }
0x1ad: {  	[tilespmem:v34+s21+$0x0] =	vst.idx.msk $0xffff, v33  }
0x1ae: {  	v34 =	vadd.s32 v20, v32;
	v33 =	vld [tilespmem:s1+$0xA8C0];
	_ =	sdelay $0x4  }
0x1af: {  	[tilespmem:v34+s21+$0x0] =	vst.idx.msk $0xffff, v33  }
0x1b0: {  	v34 =	vadd.s32 v21, v32;
	v33 =	vld [tilespmem:s1+$0xA8D0];
	_ =	sdelay $0x4  }
0x1b1: {  	[tilespmem:v34+s21+$0x0] =	vst.idx.msk $0xffff, v33  }
0x1b2: {  	v34 =	vadd.s32 v22, v32;
	v33 =	vld [tilespmem:s1+$0xAF00];
	_ =	sdelay $0x4  }
0x1b3: {  	[tilespmem:v34+s21+$0x0] =	vst.idx.msk $0xffff, v33  }
0x1b4: {  	v34 =	vadd.s32 v23, v32;
	v33 =	vld [tilespmem:s1+$0xAF10];
	_ =	sdelay $0x4  }
0x1b5: {  	[tilespmem:v34+s21+$0x0] =	vst.idx.msk $0xffff, v33  }
0x1b6: {  	v34 =	vadd.s32 v24, v32;
	v33 =	vld [tilespmem:s1+$0xB540];
	_ =	sdelay $0x4  }
0x1b7: {  	[tilespmem:v34+s21+$0x0] =	vst.idx.msk $0xffff, v33  }
0x1b8: {  	v34 =	vadd.s32 v25, v32;
	v33 =	vld [tilespmem:s1+$0xB550];
	_ =	sdelay $0x4  }
0x1b9: {  	[tilespmem:v34+s21+$0x0] =	vst.idx.msk $0xffff, v33  }
0x1ba: {  	v34 =	vadd.s32 v26, v32;
	v33 =	vld [tilespmem:s1+$0xBB80];
	_ =	sdelay $0x4  }
0x1bb: {  	[tilespmem:v34+s21+$0x0] =	vst.idx.msk $0xffff, v33  }
0x1bc: {  	v34 =	vadd.s32 v27, v32;
	v33 =	vld [tilespmem:s1+$0xBB90];
	_ =	sdelay $0x4  }
0x1bd: {  	[tilespmem:v34+s21+$0x0] =	vst.idx.msk $0xffff, v33  }
0x1be: {  	v34 =	vadd.s32 v28, v32;
	v33 =	vld [tilespmem:s1+$0xC1C0];
	_ =	sdelay $0x4  }
0x1bf: {  	[tilespmem:v34+s21+$0x0] =	vst.idx.msk $0xffff, v33  }
0x1c0: {  	v34 =	vadd.s32 v29, v32;
	v33 =	vld [tilespmem:s1+$0xC1D0];
	_ =	sdelay $0x4  }
0x1c1: {  	[tilespmem:v34+s21+$0x0] =	vst.idx.msk $0xffff, v33  }
0x1c2: {  	v34 =	vadd.s32 v30, v32;
	v33 =	vld [tilespmem:s1+$0xC800];
	_ =	sdelay $0x2  }
.Ltmp7:
0x1c3: {  	(pc) =	sbr.rel @p0 .LBB2_11-.Ltmp7, $4  }
0x1c4: {  	_ = 	snop  }
0x1c5: {  	[tilespmem:v34+s21+$0x0] =	vst.idx.msk $0xffff, v33  }
0x1c6: {  	s30 =	sadd.s32 $0x1, s30;
	v34 =	vadd.s32 v31, v32;
	v33 =	vld [tilespmem:s1+$0xC810]  }
0x1c7: {  	s31 =	sadd.s32 $0x80, s31;
	v32 =	vmov s30  }
0x1c8: {  	_ = 	snop  }
0x1c9: {  	v32 =	vmul.u32 $0x300, v32;
	_ =	sdelay $0x1  }
0x1ca: {  	v32 =	vbroadcast v32, $0x0  }
0x1cb: {  	s1 =	sshra.s32 s29, $0x2;
	[tilespmem:v34+s21+$0x0] =	vst.idx.msk $0xffff, v33  }
0x1cc: {  	v33 =	vld [tilespmem:s1+$0x6A40];
	v61 =	vadd.s32 v0, v32;
	_ =	sdelay $0x4  }
0x1cd: {  	[tilespmem:v61+s21+$0x0] =	vst.idx.msk $0xffff, v33  }
0x1ce: {  	v62 =	vadd.s32 v1, v32;
	v33 =	vld [tilespmem:s1+$0x6A50];
	_ =	sdelay $0x4  }
0x1cf: {  	[tilespmem:v62+s21+$0x0] =	vst.idx.msk $0xffff, v33  }
0x1d0: {  	v63 =	vadd.s32 v2, v32;
	v33 =	vld [tilespmem:s1+$0x7080];
	_ =	sdelay $0x4  }
0x1d1: {  	[tilespmem:v63+s21+$0x0] =	vst.idx.msk $0xffff, v33  }
0x1d2: {  	v36 =	vadd.s32 v3, v32;
	v33 =	vld [tilespmem:s1+$0x7090];
	_ =	sdelay $0x4  }
0x1d3: {  	[tilespmem:v36+s21+$0x0] =	vst.idx.msk $0xffff, v33  }
0x1d4: {  	v37 =	vadd.s32 v4, v32;
	v33 =	vld [tilespmem:s1+$0x76C0];
	_ =	sdelay $0x4  }
0x1d5: {  	[tilespmem:v37+s21+$0x0] =	vst.idx.msk $0xffff, v33  }
0x1d6: {  	v38 =	vadd.s32 v5, v32;
	v33 =	vld [tilespmem:s1+$0x76D0];
	_ =	sdelay $0x4  }
0x1d7: {  	[tilespmem:v38+s21+$0x0] =	vst.idx.msk $0xffff, v33  }
0x1d8: {  	v39 =	vadd.s32 v6, v32;
	v33 =	vld [tilespmem:s1+$0x7D00];
	_ =	sdelay $0x4  }
0x1d9: {  	[tilespmem:v39+s21+$0x0] =	vst.idx.msk $0xffff, v33  }
0x1da: {  	v40 =	vadd.s32 v7, v32;
	v33 =	vld [tilespmem:s1+$0x7D10];
	_ =	sdelay $0x4  }
0x1db: {  	[tilespmem:v40+s21+$0x0] =	vst.idx.msk $0xffff, v33  }
0x1dc: {  	v41 =	vadd.s32 v8, v32;
	v33 =	vld [tilespmem:s1+$0x8340];
	_ =	sdelay $0x4  }
0x1dd: {  	[tilespmem:v41+s21+$0x0] =	vst.idx.msk $0xffff, v33  }
0x1de: {  	v42 =	vadd.s32 v9, v32;
	v33 =	vld [tilespmem:s1+$0x8350];
	_ =	sdelay $0x4  }
0x1df: {  	[tilespmem:v42+s21+$0x0] =	vst.idx.msk $0xffff, v33  }
0x1e0: {  	v43 =	vadd.s32 v10, v32;
	v33 =	vld [tilespmem:s1+$0x8980];
	_ =	sdelay $0x4  }
0x1e1: {  	[tilespmem:v43+s21+$0x0] =	vst.idx.msk $0xffff, v33  }
0x1e2: {  	v44 =	vadd.s32 v11, v32;
	v33 =	vld [tilespmem:s1+$0x8990];
	_ =	sdelay $0x4  }
0x1e3: {  	[tilespmem:v44+s21+$0x0] =	vst.idx.msk $0xffff, v33  }
0x1e4: {  	v45 =	vadd.s32 v12, v32;
	v33 =	vld [tilespmem:s1+$0x8FC0];
	_ =	sdelay $0x4  }
0x1e5: {  	[tilespmem:v45+s21+$0x0] =	vst.idx.msk $0xffff, v33  }
0x1e6: {  	v46 =	vadd.s32 v13, v32;
	v33 =	vld [tilespmem:s1+$0x8FD0];
	_ =	sdelay $0x4  }
0x1e7: {  	[tilespmem:v46+s21+$0x0] =	vst.idx.msk $0xffff, v33  }
0x1e8: {  	v47 =	vadd.s32 v14, v32;
	v33 =	vld [tilespmem:s1+$0x9600];
	_ =	sdelay $0x4  }
0x1e9: {  	[tilespmem:v47+s21+$0x0] =	vst.idx.msk $0xffff, v33  }
0x1ea: {  	v48 =	vadd.s32 v15, v32;
	v33 =	vld [tilespmem:s1+$0x9610];
	_ =	sdelay $0x4  }
0x1eb: {  	[tilespmem:v48+s21+$0x0] =	vst.idx.msk $0xffff, v33  }
0x1ec: {  	v49 =	vadd.s32 v16, v32;
	v33 =	vld [tilespmem:s1+$0x9C40];
	_ =	sdelay $0x4  }
0x1ed: {  	[tilespmem:v49+s21+$0x0] =	vst.idx.msk $0xffff, v33  }
0x1ee: {  	v50 =	vadd.s32 v17, v32;
	v33 =	vld [tilespmem:s1+$0x9C50];
	_ =	sdelay $0x4  }
0x1ef: {  	[tilespmem:v50+s21+$0x0] =	vst.idx.msk $0xffff, v33  }
0x1f0: {  	v51 =	vadd.s32 v18, v32;
	v33 =	vld [tilespmem:s1+$0xA280];
	_ =	sdelay $0x4  }
0x1f1: {  	[tilespmem:v51+s21+$0x0] =	vst.idx.msk $0xffff, v33  }
0x1f2: {  	v52 =	vadd.s32 v19, v32;
	v33 =	vld [tilespmem:s1+$0xA290];
	_ =	sdelay $0x4  }
0x1f3: {  	[tilespmem:v52+s21+$0x0] =	vst.idx.msk $0xffff, v33  }
0x1f4: {  	v53 =	vadd.s32 v20, v32;
	v33 =	vld [tilespmem:s1+$0xA8C0];
	_ =	sdelay $0x4  }
0x1f5: {  	[tilespmem:v53+s21+$0x0] =	vst.idx.msk $0xffff, v33  }
0x1f6: {  	v54 =	vadd.s32 v21, v32;
	v33 =	vld [tilespmem:s1+$0xA8D0];
	_ =	sdelay $0x4  }
0x1f7: {  	[tilespmem:v54+s21+$0x0] =	vst.idx.msk $0xffff, v33  }
0x1f8: {  	v55 =	vadd.s32 v22, v32;
	v33 =	vld [tilespmem:s1+$0xAF00];
	_ =	sdelay $0x4  }
0x1f9: {  	[tilespmem:v55+s21+$0x0] =	vst.idx.msk $0xffff, v33  }
0x1fa: {  	v56 =	vadd.s32 v23, v32;
	v33 =	vld [tilespmem:s1+$0xAF10];
	_ =	sdelay $0x4  }
0x1fb: {  	[tilespmem:v56+s21+$0x0] =	vst.idx.msk $0xffff, v33  }
0x1fc: {  	v57 =	vadd.s32 v24, v32;
	v33 =	vld [tilespmem:s1+$0xB540];
	_ =	sdelay $0x4  }
0x1fd: {  	[tilespmem:v57+s21+$0x0] =	vst.idx.msk $0xffff, v33  }
0x1fe: {  	v58 =	vadd.s32 v25, v32;
	v33 =	vld [tilespmem:s1+$0xB550];
	_ =	sdelay $0x4  }
0x1ff: {  	[tilespmem:v58+s21+$0x0] =	vst.idx.msk $0xffff, v33  }
0x200: {  	v59 =	vadd.s32 v26, v32;
	v33 =	vld [tilespmem:s1+$0xBB80];
	_ =	sdelay $0x4  }
0x201: {  	[tilespmem:v59+s21+$0x0] =	vst.idx.msk $0xffff, v33  }
0x202: {  	v60 =	vadd.s32 v27, v32;
	v33 =	vld [tilespmem:s1+$0xBB90];
	_ =	sdelay $0x4  }
0x203: {  	[tilespmem:v60+s21+$0x0] =	vst.idx.msk $0xffff, v33  }
0x204: {  	v61 =	vadd.s32 v28, v32;
	v33 =	vld [tilespmem:s1+$0xC1C0];
	_ =	sdelay $0x4  }
0x205: {  	[tilespmem:v61+s21+$0x0] =	vst.idx.msk $0xffff, v33  }
0x206: {  	v62 =	vadd.s32 v29, v32;
	v33 =	vld [tilespmem:s1+$0xC1D0];
	_ =	sdelay $0x4  }
0x207: {  	[tilespmem:v62+s21+$0x0] =	vst.idx.msk $0xffff, v33  }
0x208: {  	v63 =	vadd.s32 v30, v32;
	v33 =	vld [tilespmem:s1+$0xC800];
	_ =	sdelay $0x4  }
0x209: {  	[tilespmem:v63+s21+$0x0] =	vst.idx.msk $0xffff, v33  }
0x20a: {  	s0 =	sshll.u32 s26, $0x3;
	v32 =	vadd.s32 v31, v32;
	v33 =	vld [tilespmem:s1+$0xC810]  }
0x20b: {  	s0 =	sand.u32 $0x7FFFFC00, s0  }
0x20c: {  	s0 =	sor.u32 s0, s28  }
0x20d: {  	s0 =	sshrl.u32 s0, $0x3  }
0x20e: {  	s0 =	sadd.s32 s0, s2  }
0x20f: {  	s31 =	simm.s32 $0x16440;
	s8 =	sadd.s32 $0x2, s0;
	[tilespmem:v32+s21+$0x0] =	vst.idx.msk $0xffff, v33  }
0x210: {  	[hbm4b:s8+s3] =	stream.linear.scatter [tilespmem:s31], [sflag:$0x6], $0x10, $0x38;
	[tilespmem:$0x1FA40] =	vst v63  }
0x211: {  	s26 =	sadd.s32 $0x10, s8;
	s1 =	simm.s32 $0x16458  }
0x212: {  	[hbm4b:s26+s3] =	stream.linear.scatter [tilespmem:s1], [sflag:$0x6], $0x10, $0x38;
	[tilespmem:$0x1FA40] =	vst v63  }
0x213: {  	s30 =	simm.s32 $0x16470;
	s29 =	simm.s32 $0x164E8;
	s31 =	sadd.s32 $0x20, s8  }
0x214: {  	[hbm4b:s31+s3] =	stream.linear.scatter [tilespmem:s30], [sflag:$0x6], $0x10, $0x38;
	[tilespmem:$0x1FA40] =	vst v63  }
0x215: {  	s28 =	simm.s32 $0x600;
	s1 =	simm.s32 $0x16488;
	s26 =	sadd.s32 $0x30, s8  }
0x216: {  	[hbm4b:s26+s3] =	stream.linear.scatter [tilespmem:s1], [sflag:$0x6], $0x10, $0x38;
	[tilespmem:$0x1FA40] =	vst v63  }
0x217: {  	s0 =	sadd.s32 $0x70, s8;
	s30 =	simm.s32 $0x164A0;
	s31 =	sadd.s32 $0x40, s8  }
0x218: {  	[hbm4b:s31+s3] =	stream.linear.scatter [tilespmem:s30], [sflag:$0x6], $0x10, $0x38;
	[tilespmem:$0x1FA40] =	vst v63  }
0x219: {  	s1 =	simm.s32 $0x164B8;
	s26 =	sadd.s32 $0x50, s8;
	s30 =	simm.s32 $0x164D0  }
0x21a: {  	[hbm4b:s26+s3] =	stream.linear.scatter [tilespmem:s1], [sflag:$0x6], $0x10, $0x38;
	[tilespmem:$0x1FA40] =	vst v63  }
0x21b: {  	s31 =	sadd.s32 $0x60, s8;
	s1 =	simm.s32 $0xC0;
	s26 =	sadd.s32 $0x4000, s8  }
0x21c: {  	[hbm4b:s31+s3] =	stream.linear.scatter [tilespmem:s30], [sflag:$0x6], $0x10, $0x38;
	[tilespmem:$0x1FA40] =	vst v63  }
.LBB2_13:
0x21d: {  	[hbm4b:s0+s3] =	stream.linear.scatter [tilespmem:s29], [sflag:$0x6], $0x10, $0x38;
	[tilespmem:$0x1FA40] =	vst v63  }
0x21e: {  	s0 =	smov.u32 s1;
	s1 =	smov.u32 s28  }
0x21f: {  	s8 =	sadd.s32 $0x300, s28;
	s1 =	sshra.s32 s1, $0x2;
	s29 =	sadd.s32 $0x16440, s0  }
0x220: {  	[hbm4b:s26+s3] =	stream.linear.scatter [tilespmem:s29], [sflag:$0x6], $0x10, $0x38;
	[tilespmem:$0x1FA40] =	vst v63  }
0x221: {  	p0 =	sne.s32 s28, $0x25500;
	s28 =	sadd.s32 $0x16458, s0;
	s29 =	sadd.s32 $0x10, s26  }
0x222: {  	[hbm4b:s29+s3] =	stream.linear.scatter [tilespmem:s28], [sflag:$0x6], $0x10, $0x38;
	[tilespmem:$0x1FA40] =	vst v63  }
0x223: {  	s28 =	sadd.s32 $0x16470, s0;
	s29 =	sadd.s32 $0x20, s26  }
0x224: {  	[hbm4b:s29+s3] =	stream.linear.scatter [tilespmem:s28], [sflag:$0x6], $0x10, $0x38;
	[tilespmem:$0x1FA40] =	vst v63  }
0x225: {  	s28 =	sadd.s32 $0x16488, s0;
	s29 =	sadd.s32 $0x30, s26  }
0x226: {  	[hbm4b:s29+s3] =	stream.linear.scatter [tilespmem:s28], [sflag:$0x6], $0x10, $0x38;
	[tilespmem:$0x1FA40] =	vst v63  }
0x227: {  	s28 =	sadd.s32 $0x164A0, s0;
	s29 =	sadd.s32 $0x40, s26  }
0x228: {  	[hbm4b:s29+s3] =	stream.linear.scatter [tilespmem:s28], [sflag:$0x6], $0x10, $0x38;
	[tilespmem:$0x1FA40] =	vst v63  }
0x229: {  	s28 =	sadd.s32 $0x164B8, s0;
	s29 =	sadd.s32 $0x50, s26  }
0x22a: {  	[hbm4b:s29+s3] =	stream.linear.scatter [tilespmem:s28], [sflag:$0x6], $0x10, $0x38;
	[tilespmem:$0x1FA40] =	vst v63  }
.Ltmp8:
0x22b: {  	_ = 	snop;
	(pc) =	sbr.rel @p0 .LBB2_13-.Ltmp8, $4  }
0x22c: {  	s28 =	sadd.s32 $0x164D0, s0;
	s29 =	sadd.s32 $0x60, s26  }
0x22d: {  	[hbm4b:s29+s3] =	stream.linear.scatter [tilespmem:s28], [sflag:$0x6], $0x10, $0x38;
	[tilespmem:$0x1FA40] =	vst v63  }
0x22e: {  	s29 =	sadd.s32 $0x164E8, s0  }
0x22f: {  	s0 =	sadd.s32 $0x70, s26;
	s26 =	sadd.s32 $0x4000, s26;
	s28 =	smov.u32 s8  }
0x230: {  	[hbm4b:s0+s3] =	stream.linear.scatter [tilespmem:s29], [sflag:$0x6], $0x10, $0x38;
	[tilespmem:$0x1FA40] =	vst v63  }
0x231: {  	s30 =	sadd.s32 $0x16440, s1  }
0x232: {  	[hbm4b:s26+s3] =	stream.linear.scatter [tilespmem:s30], [sflag:$0x6], $0x10, $0x38;
	[tilespmem:$0x1FA40] =	vst v63  }
0x233: {  	s31 =	sadd.s32 $0x16458, s1;
	s8 =	sadd.s32 $0x10, s26  }
0x234: {  	[hbm4b:s8+s3] =	stream.linear.scatter [tilespmem:s31], [sflag:$0x6], $0x10, $0x38;
	[tilespmem:$0x1FA40] =	vst v63  }
0x235: {  	s28 =	sadd.s32 $0x16470, s1;
	s29 =	sadd.s32 $0x20, s26  }
0x236: {  	[hbm4b:s29+s3] =	stream.linear.scatter [tilespmem:s28], [sflag:$0x6], $0x10, $0x38;
	[tilespmem:$0x1FA40] =	vst v63  }
0x237: {  	s30 =	sadd.s32 $0x16488, s1;
	s31 =	sadd.s32 $0x30, s26  }
0x238: {  	[hbm4b:s31+s3] =	stream.linear.scatter [tilespmem:s30], [sflag:$0x6], $0x10, $0x38;
	[tilespmem:$0x1FA40] =	vst v63  }
0x239: {  	s28 =	sadd.s32 $0x164A0, s1;
	s29 =	sadd.s32 $0x40, s26  }
0x23a: {  	[hbm4b:s29+s3] =	stream.linear.scatter [tilespmem:s28], [sflag:$0x6], $0x10, $0x38;
	[tilespmem:$0x1FA40] =	vst v63  }
0x23b: {  	p0 =	seq.s32 s24, $0xF;
	s30 =	sadd.s32 $0x164B8, s1;
	s31 =	sadd.s32 $0x50, s26  }
0x23c: {  	[hbm4b:s31+s3] =	stream.linear.scatter [tilespmem:s30], [sflag:$0x6], $0x10, $0x38;
	[tilespmem:$0x1FA40] =	vst v63  }
.Ltmp9:
0x23d: {  	_ = 	snop;
	(pc) =	sbr.rel @p0 .LBB2_16-.Ltmp9, $4  }
0x23e: {  	s28 =	sadd.s32 $0x164D0, s1;
	s29 =	sadd.s32 $0x60, s26  }
0x23f: {  	[hbm4b:s29+s3] =	stream.linear.scatter [tilespmem:s28], [sflag:$0x6], $0x10, $0x38;
	[tilespmem:$0x1FA40] =	vst v63  }
0x240: {  	s30 =	sadd.s32 $0x164E8, s1;
	s31 =	sadd.s32 $0x70, s26  }
0x241: {  	[hbm4b:s31+s3] =	stream.linear.scatter [tilespmem:s30], [sflag:$0x6], $0x10, $0x38;
	[tilespmem:$0x1FA40] =	vst v63  }
0x242: {  	s0 =	sadd.s32 s25, s10  }
0x243: {  	s0 =	smul.u32 $0x32, s0  }
.Ltmp10:
0x244: {  	_ = 	snop;
	(pc) =	sbr.rel .LBB2_2-.Ltmp10, $4  }
0x245: {  	_ = 	snop  }
0x246: {  	s0 =	sshrl.u32 s0, $0x3  }
0x247: {  	s24 =	sadd.s32 $0x1, s24;
	s0 =	sadd.s32 s4, s0  }
0x248: {  	[tilespmem:s12], [sflag:$0x2] =	stream.linear.gather [hbm4b:s0+s3], $0x320, $0x38;
	[tilespmem:$0x1FA40] =	vst v63  }
.LBB2_17:
0x249: {  	_ =	sfence.sel $0x180000  }
0x24a: {  	[bflag:$0x0] =	sbarrier.arrive $0xFFFF  }
0x24b: {  	_ =	strace $0x90000047  }
0x24c: {  	s0 =	stileid.u32;
	[bflag:$0x2] =	sbarrier.arrive $0xFFFF  }
0x24d: {  	p0 =	sne.s32 s0, $0x0;
	s0 =	rddreg [dreg:$0x2]  }
0x24e: {  	s0 =	sadd.s32 @!p0 $0x100000, s0  }
0x24f: {  	[sflag:s0] =	ssyncadd.tile.s32 @!p0 $0x1;
	_ =	shalt  }
.Lfunc_end2:
_tile_overlayer_lowered:
.L_overlay_start_2:
0x250: {  	(tag) =	ssettag $0x2  }
0x251: {  	s0 =	rddreg [dreg:$0x0];
	s2 =	stileid.u32  }
0x252: {  	s1 =	rddreg [dreg:$0x1];
	p0 =	sne.s32 s2, $0x0  }
0x253: {  	s3 =	rddreg [dreg:$0x2];
	[bflag:$0x3] =	sbarrier.arrive $0xFFFF;
	s2 =	simm.s32 @!p0 $0x1C07  }
0x254: {  	[timem:s3], [sflag:s2] =	dma.local @!p0 [hbm:s0], s1  }
0x255: {  	s0 =	simm.s32 @!p0 $0x7  }
0x256: {  	_ =	swait.ge @!p0 [sflag:s0], s1  }
0x257: {  	s1 =	ssub.s32 @!p0 $0x0, s1;
	[sflag:s0] =	ssyncset.done @!p0 $0x0  }
0x258: {  	[sflag:s0] =	ssyncadd.s32 @!p0 s1  }
0x259: {  	[bflag:$0x3] =	sbarrier.arrive $0xFFFF  }
0x25a: {  	_ =	shalt  }

</sc_bundles>
